<compile_context>
chip_gen: v7x
topology: tpu7x:2x2x1
jax: 0.10.2.dev20260603
libtpu: 0.0.44.dev20260713+nightly
codegen_flags: <defaults>
</compile_context>

<pallas_src>
import functools
import numpy as np
import jax
import jax.numpy as jnp
from jax import lax
from jax.experimental import pallas as pl
from jax.experimental.pallas import tpu as pltpu
from jax.experimental.pallas import tpu_sc as plsc

B, V, H = 16, 100, 128
VV = V * V
NE = B * VV
RT = 20
NT = V // RT
BR = RT * V
F32 = jnp.float32

RTH = 50
NTH = V // RTH
BRH = RTH * V

_brow = np.arange(BR)
SEGT20_NP = (_brow[:, None] // V == np.arange(RT)[None, :]).astype(np.float32)
TILEL_NP = (_brow[:, None] % V == np.arange(V)[None, :]).astype(np.float32)
SEGL_NP = (np.arange(RT)[:, None] == _brow[None, :] // V).astype(np.float32)
_hrow = np.arange(BRH)
SEGTH_NP = (_hrow[:, None] // V == np.arange(RTH)[None, :]).astype(np.float32)
TILELH_NP = (_hrow[:, None] % V == np.arange(V)[None, :]).astype(np.float32)
SEGLH_NP = (np.arange(RTH)[:, None] == _hrow[None, :] // V).astype(np.float32)


def _mm(a, b):
    return jnp.dot(a, b, preferred_element_type=F32,
                   precision=lax.Precision.HIGHEST)


def _dgT(a, b, ca, cb):
    return lax.dot_general(a, b, (((ca,), (cb,)), ((), ())),
                           preferred_element_type=F32,
                           precision=lax.Precision.HIGHEST)


def _s0_body(coords_ref, wn_ref, bn_ref, v1_ref, v2_ref, bm_ref,
             x_ref, v1x_ref, v2x_ref, bx_ref):
    x = _mm(coords_ref[...], wn_ref[...]) + bn_ref[0:1, :]
    x_ref[...] = x
    v1x_ref[...] = _mm(x, v1_ref[...])
    v2x_ref[...] = _mm(x, v2_ref[...])
    bx_ref[...] = _mm(x, bm_ref[...])


def _sl_body(x_ref, gbx_ref, gsum_ref, a_ref, v1_ref, v2_ref, bm_ref,
             x_ref_o, v1x_ref, v2x_ref, bx_ref):
    x = x_ref[...]
    t = _mm(x, a_ref[...]) + gbx_ref[...] / (gsum_ref[...] + 1e-20)
    mu = jnp.mean(t, axis=0, keepdims=True)
    var = jnp.mean((t - mu) * (t - mu), axis=0, keepdims=True)
    xn = x + jnp.maximum((t - mu) * lax.rsqrt(var + 1e-5), 0.0)
    x_ref_o[...] = xn
    v1x_ref[...] = _mm(xn, v1_ref[...])
    v2x_ref[...] = _mm(xn, v2_ref[...])
    bx_ref[...] = _mm(xn, bm_ref[...])


def _edge_tail(e_loc, u_ref, v1x_ref, v2x_ref, bx_ref, segt20_ref, tilel_ref,
               segl_ref, e_ref, en_ref, stats_ref, gsum_ref, gbx_ref):
    en = _mm(e_loc, u_ref[...])
    en = en + _mm(segt20_ref[...], v1x_ref[0, 0])
    en = en + _mm(tilel_ref[...], v2x_ref[0])
    e_ref[0] = e_loc
    en_ref[0] = en
    gate = jax.nn.sigmoid(en)
    gsum_ref[0, 0] = _mm(segl_ref[...], gate)
    bxb = _mm(tilel_ref[...], bx_ref[0])
    gbx_ref[0, 0] = _mm(segl_ref[...], gate * bxb)

    first = (pl.program_id(0) == 0) & (pl.program_id(1) == 0)

    @pl.when(first)
    def _():
        stats_ref[...] = jnp.zeros((8, 128), F32)

    stats_ref[0:1, :] += jnp.sum(en, axis=0, keepdims=True)
    stats_ref[1:2, :] += jnp.sum(en * en, axis=0, keepdims=True)


def _b0_body(feat_ref, embp_ref, v1x_ref, v2x_ref, bx_ref,
             u_ref, segt20_ref, tilel_ref, segl_ref,
             e_ref, en_ref, stats_ref, gsum_ref, gbx_ref):
    e_loc = _mm(feat_ref[0], embp_ref[...])
    _edge_tail(e_loc, u_ref, v1x_ref, v2x_ref, bx_ref, segt20_ref, tilel_ref,
               segl_ref, e_ref, en_ref, stats_ref, gsum_ref, gbx_ref)


def _bl_body(ep_ref, enp_ref, statsp_ref, v1x_ref, v2x_ref, bx_ref,
             u_ref, segt20_ref, tilel_ref, segl_ref,
             e_ref, en_ref, stats_ref, gsum_ref, gbx_ref):
    mu = statsp_ref[0:1, :] / NE
    var = statsp_ref[1:2, :] / NE - mu * mu
    rstd = lax.rsqrt(var + 1e-5)
    e_loc = ep_ref[0] + jnp.maximum((enp_ref[0] - mu) * rstd, 0.0)
    _edge_tail(e_loc, u_ref, v1x_ref, v2x_ref, bx_ref, segt20_ref, tilel_ref,
               segl_ref, e_ref, en_ref, stats_ref, gsum_ref, gbx_ref)


def _h1_body(ep_ref, enp_ref, statsp_ref, wn2_ref, bpr_ref, e3_ref, x2_ref):
    mu = statsp_ref[0:1, :] / NE
    var = statsp_ref[1:2, :] / NE - mu * mu
    rstd = lax.rsqrt(var + 1e-5)
    e3 = ep_ref[0] + jnp.maximum((enp_ref[0] - mu) * rstd, 0.0)
    e3_ref[0] = e3
    x2_ref[0] = _mm(e3, wn2_ref[...]) + bpr_ref[...]


SC_NC, SC_NS = 2, 16
SC_NW = SC_NC * SC_NS
SC_RPW = NE // SC_NW
SC_CH = 40
SC_NCH = SC_RPW // SC_CH


TS_PAD = 2048
TS_CH = TS_PAD // SC_NW


def _sc_gather_body(x2_hbm, e3_hbm, gidx_hbm, tsidx_hbm, out_hbm, ts_hbm,
                    idx_v, rows_v, idx2_v, rows2_v, sem):
    c = lax.axis_index("c")
    s = lax.axis_index("s")
    wid = s * SC_NC + c
    base = wid * SC_RPW

    def step(i, _):
        off = base + i * SC_CH
        pltpu.sync_copy(gidx_hbm.at[pl.ds(off, SC_CH)], idx_v)
        pltpu.async_copy(x2_hbm.at[idx_v], rows_v, sem).wait()
        pltpu.sync_copy(rows_v, out_hbm.at[pl.ds(off, SC_CH)])
        return 0

    lax.fori_loop(0, SC_NCH, step, 0)

    off2 = wid * TS_CH
    pltpu.sync_copy(tsidx_hbm.at[pl.ds(off2, TS_CH)], idx2_v)
    pltpu.async_copy(e3_hbm.at[idx2_v], rows2_v, sem).wait()
    pltpu.sync_copy(rows2_v, ts_hbm.at[pl.ds(off2, TS_CH)])


def _sc_gather(x2_flat, e3_flat, gidx, tsidx):
    run = functools.partial(
        pl.kernel,
        out_type=(jax.ShapeDtypeStruct((NE, H), F32),
                  jax.ShapeDtypeStruct((TS_PAD, H), F32)),
        mesh=plsc.VectorSubcoreMesh(core_axis_name="c", subcore_axis_name="s"),
        scratch_types=[
            pltpu.VMEM((SC_CH,), jnp.int32),
            pltpu.VMEM((SC_CH, H), F32),
            pltpu.VMEM((TS_CH,), jnp.int32),
            pltpu.VMEM((TS_CH, H), F32),
            pltpu.SemaphoreType.DMA,
        ],
    )(_sc_gather_body)
    return run(x2_flat, e3_flat, gidx, tsidx)


def _h2_body(e3_ref, n2_ref, ts_ref, xd_ref, vals_ref, gpq_ref,
             segt20_ref, tilel_ref, segl_ref, wsplit_ref, smallp_ref, w3_ref,
             aw1_ref, aw2_ref, acc_ref):
    it = pl.program_id(1)
    Ps = xd_ref[0]
    segt20 = segt20_ref[...]
    tilel = tilel_ref[...]

    io_r = lax.broadcasted_iota(jnp.int32, (V, V), 0).astype(F32)
    io_c = lax.broadcasted_iota(jnp.int32, (V, V), 1).astype(F32)
    eye = jnp.where(io_r == io_c, 1.0, 0.0)

    io_tr = lax.broadcasted_iota(jnp.int32, (RTH, V), 0)
    io_tc = lax.broadcasted_iota(jnp.int32, (RTH, V), 1)
    sel = jnp.where(io_tr + it * RTH == io_tc, 1.0, 0.0)

    succ_col = jnp.sum(Ps * io_c, axis=1, keepdims=True)
    s_col = io_r[:, 0:1]
    u_col = jnp.minimum(s_col, succ_col)
    v_col = jnp.maximum(s_col, succ_col)
    key_col = u_col * V + v_col
    key_row = _dgT(key_col, eye, 0, 0)
    r_col = jnp.sum(jnp.where(key_row < key_col, 1.0, 0.0),
                    axis=1, keepdims=True)
    d_col = jnp.sum(vals_ref[0] * Ps, axis=1, keepdims=True)

    vals2 = _dgT(_mm(Ps, vals_ref[0]), Ps, 1, 1)
    Pr = jnp.where(r_col == io_c, 1.0, 0.0)
    g_st = _dgT(_mm(Pr, gpq_ref[0]), Pr, 1, 1)

    vals_t = _mm(sel, vals_ref[0])
    vals2_t = _mm(sel, vals2)
    g_t = _mm(sel, g_st)
    r_s = _mm(sel, r_col)
    r_row = _dgT(r_col, eye, 0, 0)
    d_s = _mm(sel, d_col)
    d_row = _dgT(d_col, eye, 0, 0)
    succ_s = _mm(sel, succ_col)
    succ_row = _dgT(succ_col, eye, 0, 0)

    cost2d = vals_t + vals2_t - d_s - d_row

    ones_col = jnp.ones((V, 1), F32)
    costf = _mm(_mm(segt20, cost2d) * tilel, ones_col)

    ts_full = ts_ref[0]
    a1f = _mm(segt20, _mm(_mm(sel, ts_full), wsplit_ref[0:H, :]))
    a2f = _mm(tilel, _mm(ts_full, wsplit_ref[H:2 * H, :]))
    x1f = _mm(e3_ref[0], wsplit_ref[2 * H:3 * H, :])

    wc = smallp_ref[0:1, :]
    h = x1f + n2_ref[0] + a1f + a2f + costf * wc
    h = jnp.maximum(h + smallp_ref[2:3, :], 0.0)
    h = jnp.maximum(_mm(h, aw1_ref[...]) + smallp_ref[3:4, :], 0.0)
    h = jnp.maximum(_mm(h, aw2_ref[...]) + smallp_ref[4:5, :], 0.0)
    logits_col = _mm(h, w3_ref[...]) + smallp_ref[6:7, 0:1]

    L = _mm(segl_ref[...], logits_col * tilel)

    valid = r_s < r_row
    kmat = r_s * V - r_s * (r_s + 1.0) * 0.5 + (r_row - r_s - 1.0)

    neg = jnp.float32(-3e38)
    total = jnp.where(valid, L + g_t, neg)
    tm = jnp.max(total)
    tk = jnp.min(jnp.where((total == tm) & valid, kmat, jnp.float32(3e38)))
    selm = jnp.where((kmat == tk) & valid, 1.0, 0.0)

    s2d = (io_tr + it * RTH).astype(F32)
    t2d = io_tc.astype(F32)
    s_star_t = jnp.sum(selm * s2d)
    t_star_t = jnp.sum(selm * t2d)
    ss_t = jnp.sum(selm * succ_s)
    st_t = jnp.sum(selm * succ_row)
    lstar_t = jnp.sum(selm * L)

    t_lmax = jnp.max(jnp.where(valid, L, neg))
    t_ssum = jnp.sum(jnp.where(valid, jnp.exp(L - t_lmax), 0.0))

    @pl.when(it == 0)
    def _():
        rows0 = lax.broadcasted_iota(jnp.int32, (16, 128), 0)
        init = jnp.where(rows0 == 0, neg, 0.0)
        init = init + jnp.where(rows0 == 1, jnp.float32(3e38), 0.0)
        init = init + jnp.where(rows0 == 7, neg, 0.0)
        acc_ref[0] = init

    acc = acc_ref[0]
    am = acc[0:1, 0:1]
    ak = acc[1:2, 0:1]
    a_s = acc[2:3, 0:1]
    a_t = acc[3:4, 0:1]
    a_ss = acc[4:5, 0:1]
    a_st = acc[5:6, 0:1]
    a_ls = acc[6:7, 0:1]
    a_lm = acc[7:8, 0:1]
    a_sum = acc[8:9, 0:1]

    better = (tm > am) | ((tm == am) & (tk < ak))
    nm = jnp.where(better, tm, am)
    nk = jnp.where(better, tk, ak)
    ns = jnp.where(better, s_star_t, a_s)
    nt = jnp.where(better, t_star_t, a_t)
    nss = jnp.where(better, ss_t, a_ss)
    nst = jnp.where(better, st_t, a_st)
    nls = jnp.where(better, lstar_t, a_ls)

    nlm = jnp.maximum(a_lm, t_lmax)
    nsum = a_sum * jnp.exp(a_lm - nlm) + t_ssum * jnp.exp(t_lmax - nlm)
    pi = nls - (nlm + jnp.log(nsum))

    rows = lax.broadcasted_iota(jnp.int32, (16, 128), 0)
    out = jnp.where(rows == 0, nm, 0.0)
    out = out + jnp.where(rows == 1, nk, 0.0)
    out = out + jnp.where(rows == 2, ns, 0.0)
    out = out + jnp.where(rows == 3, nt, 0.0)
    out = out + jnp.where(rows == 4, nss, 0.0)
    out = out + jnp.where(rows == 5, nst, 0.0)
    out = out + jnp.where(rows == 6, nls, 0.0)
    out = out + jnp.where(rows == 7, nlm, 0.0)
    out = out + jnp.where(rows == 8, nsum, 0.0)
    out = out + jnp.where(rows == 9, pi, 0.0)
    acc_ref[0] = out


def kernel(x_edges, x_edges_values, x_nodes_coord, x_tour, x_best_tour,
           x_tour_directed, params):
    p = params
    vals = x_edges_values
    valsf = vals.reshape(B, VV, 1)
    xtf = x_tour.reshape(B, VV, 1)
    xbf = x_best_tour.reshape(B, VV, 1)

    segt20 = jnp.asarray(SEGT20_NP)
    tilel = jnp.asarray(TILEL_NP)
    segl = jnp.asarray(SEGL_NP)

    z64 = jnp.zeros((64,), F32)
    embp = jnp.stack([
        jnp.concatenate([p['W_eval'][0], z64]),
        jnp.concatenate([z64, p['W_ecat'][0]]),
        jnp.concatenate([z64, p['W_ecat'][1]]),
        jnp.concatenate([p['b_eval'], p['b_ecat']]),
    ] + [jnp.zeros((128,), F32)] * 4)

    coords_pad = jnp.concatenate(
        [x_nodes_coord.reshape(B * V, 2), jnp.zeros((B * V, 6), F32)], axis=1)
    wn_pad = jnp.concatenate([p['W_node'], jnp.zeros((6, H), F32)], axis=0)

    mm2 = jax.ShapeDtypeStruct((B * V, H), F32)
    x0, v1x, v2x, bx = pl.pallas_call(
        _s0_body,
        out_shape=(mm2, mm2, mm2, mm2),
    )(coords_pad, wn_pad, p['b_node'].reshape(1, H),
      p['layers'][0]['V1'], p['layers'][0]['V2'], p['layers'][0]['Bm'])

    e_shape = jax.ShapeDtypeStruct((B, VV, H), F32)
    stats_shape = jax.ShapeDtypeStruct((8, 128), F32)
    agg_shape = jax.ShapeDtypeStruct((B, NT, RT, H), F32)

    big_in_common = [
        pl.BlockSpec((1, 1, RT, H), lambda b, i: (b, i, 0, 0)),
        pl.BlockSpec((1, V, H), lambda b, i: (b, 0, 0)),
        pl.BlockSpec((1, V, H), lambda b, i: (b, 0, 0)),
        pl.BlockSpec((H, H), lambda b, i: (0, 0)),
        pl.BlockSpec((BR, RT), lambda b, i: (0, 0)),
        pl.BlockSpec((BR, V), lambda b, i: (0, 0)),
        pl.BlockSpec((RT, BR), lambda b, i: (0, 0)),
    ]
    big_out = [
        pl.BlockSpec((1, BR, H), lambda b, i: (b, i, 0)),
        pl.BlockSpec((1, BR, H), lambda b, i: (b, i, 0)),
        pl.BlockSpec((8, 128), lambda b, i: (0, 0)),
        pl.BlockSpec((1, 1, RT, H), lambda b, i: (b, i, 0, 0)),
        pl.BlockSpec((1, 1, RT, H), lambda b, i: (b, i, 0, 0)),
    ]
    big_out_shape = (e_shape, e_shape, stats_shape, agg_shape, agg_shape)

    feat = jnp.concatenate(
        [valsf, xtf, xbf, jnp.ones_like(valsf),
         jnp.zeros((B, VV, 4), F32)], axis=-1)
    e, en, stats, gsum, gbx = pl.pallas_call(
        _b0_body,
        grid=(B, NT),
        in_specs=[pl.BlockSpec((1, BR, 8), lambda b, i: (b, i, 0)),
                  pl.BlockSpec((8, 128), lambda b, i: (0, 0))] + big_in_common,
        out_specs=big_out,
        out_shape=big_out_shape,
    )(feat, embp,
      v1x.reshape(B, NT, RT, H), v2x.reshape(B, V, H), bx.reshape(B, V, H),
      p['layers'][0]['U'], segt20, tilel, segl)

    x_cur = x0
    for l in (1, 2):
        lp = p['layers'][l]
        x_cur, v1x, v2x, bx = pl.pallas_call(
            _sl_body,
            out_shape=(mm2, mm2, mm2, mm2),
        )(x_cur, gbx.reshape(B * V, H), gsum.reshape(B * V, H),
          p['layers'][l - 1]['A'], lp['V1'], lp['V2'], lp['Bm'])

        eblk = pl.BlockSpec((1, BR, H), lambda b, i: (b, i, 0))
        e, en, stats, gsum, gbx = pl.pallas_call(
            _bl_body,
            grid=(B, NT),
            in_specs=[eblk, eblk,
                      pl.BlockSpec((8, 128), lambda b, i: (0, 0))] + big_in_common,
            out_specs=big_out,
            out_shape=big_out_shape,
        )(e, en, stats,
          v1x.reshape(B, NT, RT, H), v2x.reshape(B, V, H), bx.reshape(B, V, H),
          lp['U'], segt20, tilel, segl)

    w_c = p['pre_W'][4 * H:5 * H, :]
    aw0 = p['act_W0']
    bpr = _mm(p['pre_b'] + _mm(p['cost_b'], w_c), aw0).reshape(1, H)
    eblk1 = pl.BlockSpec((1, BRH, H), lambda b, i: (b, i, 0))
    e3, x2 = pl.pallas_call(
        _h1_body,
        grid=(B, NTH),
        in_specs=[eblk1, eblk1, pl.BlockSpec((8, 128), lambda b, i: (0, 0)),
                  pl.BlockSpec((H, H), lambda b, i: (0, 0)),
                  pl.BlockSpec((1, H), lambda b, i: (0, 0))],
        out_specs=[eblk1, eblk1],
        out_shape=(e_shape, e_shape),
    )(e, en, stats, _mm(p['pre_W'][3 * H:4 * H, :], aw0), bpr)

    succ = jnp.argmax(x_tour_directed, axis=-1).astype(jnp.int32)
    boff = (jnp.arange(B, dtype=jnp.int32) * VV)[:, None]
    gidx = (succ[:, :, None] * V + succ[:, None, :]
            + boff[:, :, None]).reshape(NE)
    ar_i = jnp.arange(V, dtype=jnp.int32)
    tsidx = (ar_i[None, :] * V + succ + boff).reshape(B * V)
    tsidx = jnp.concatenate(
        [tsidx, jnp.zeros((TS_PAD - B * V,), jnp.int32)])
    n2, ts_rows = _sc_gather(x2.reshape(NE, H), e3.reshape(NE, H), gidx, tsidx)
    n2 = n2.reshape(B, VV, H)
    ts = ts_rows[:B * V].reshape(B, V, H)

    nep = V * (V - 1) // 2
    g = jax.random.gumbel(jax.random.key(42), (B, nep), F32)
    rs, cs = jnp.triu_indices(V, k=1)
    gpq = jnp.zeros((B, V, V), F32).at[:, rs, cs].set(g)

    smallp = jnp.stack([
        _mm(_mm(p['cost_W'][0], w_c), aw0),
        jnp.zeros((128,), F32),
        p['act_b0'], p['act_b1'], p['act_b2'],
        jnp.zeros((128,), F32),
        jnp.full((128,), p['act_b3'][0], F32),
        jnp.zeros((128,), F32),
    ])

    vblk = pl.BlockSpec((1, V, V), lambda b, i: (b, 0, 0))
    eblk2 = pl.BlockSpec((1, BRH, H), lambda b, i: (b, i, 0))
    res = pl.pallas_call(
        _h2_body,
        grid=(B, NTH),
        in_specs=[eblk2, eblk2,
                  pl.BlockSpec((1, V, H), lambda b, i: (b, 0, 0)),
                  vblk, vblk, vblk,
                  pl.BlockSpec((BRH, RTH), lambda b, i: (0, 0)),
                  pl.BlockSpec((BRH, V), lambda b, i: (0, 0)),
                  pl.BlockSpec((RTH, BRH), lambda b, i: (0, 0)),
                  pl.BlockSpec((3 * H, H), lambda b, i: (0, 0)),
                  pl.BlockSpec((8, 128), lambda b, i: (0, 0)),
                  pl.BlockSpec((H, 1), lambda b, i: (0, 0)),
                  pl.BlockSpec((H, H), lambda b, i: (0, 0)),
                  pl.BlockSpec((H, H), lambda b, i: (0, 0))],
        out_specs=[pl.BlockSpec((1, 16, 128), lambda b, i: (b, 0, 0))],
        out_shape=(jax.ShapeDtypeStruct((B, 16, 128), F32),),
    )(e3, n2, ts, x_tour_directed, vals, gpq,
      jnp.asarray(SEGTH_NP), jnp.asarray(TILELH_NP), jnp.asarray(SEGLH_NP),
      _mm(p['pre_W'][0:3 * H, :], aw0), smallp,
      p['act_W3'], p['act_W1'], p['act_W2'])[0]

    r0 = res[:, :, 0]
    s_star = r0[:, 2]
    t_star = r0[:, 3]
    ss = r0[:, 4]
    st = r0[:, 5]
    actions = r0[:, 1].astype(jnp.int32)
    pi = r0[:, 9]
    barange = jnp.arange(B, dtype=jnp.int32)
    e1 = jnp.stack([barange, jnp.minimum(s_star, ss).astype(jnp.int32),
                    jnp.maximum(s_star, ss).astype(jnp.int32)], axis=1)
    e2 = jnp.stack([barange, jnp.minimum(t_star, st).astype(jnp.int32),
                    jnp.maximum(t_star, st).astype(jnp.int32)], axis=1)
    edges = jnp.stack([e1, e2], axis=1)
    return edges, pi, actions

# --- scband reference (transcript-rebuilt; emitter-appended) ---
"""Pipeline reference for scband-tsprgcnaction-net-53360673686184 (READ-ONLY COPY).

The authoritative reference and input builder live on the scoring server;
editing this copy changes nothing except your own understanding.
"""

import jax, jax.numpy as jnp
import numpy as np

B, V, H, NL = 16, 100, 128, 3


def _make_tour(seed, b, v):
    rng = np.random.default_rng(seed)
    directed = np.zeros((b, v, v), dtype=np.float32)
    for i in range(b):
        perm = rng.permutation(v)
        directed[i, perm, np.roll(perm, -1)] = 1.0
    sym = np.clip(directed + directed.transpose(0, 2, 1), 0.0, 1.0)
    return directed, sym


def _p(key, shape):
    return jax.random.normal(key, shape, dtype=jnp.float32) * 0.02


def _make_params(key):
    ks = iter(jax.random.split(key, 64))
    params = {
        'W_node': _p(next(ks), (2, H)), 'b_node': jnp.zeros((H,), jnp.float32),
        'W_eval': _p(next(ks), (1, H // 2)), 'b_eval': jnp.zeros((H // 2,), jnp.float32),
        'W_ecat': _p(next(ks), (2, H // 2)), 'b_ecat': jnp.zeros((H // 2,), jnp.float32),
        'cost_W': _p(next(ks), (1, H)), 'cost_b': jnp.zeros((H,), jnp.float32),
        'pre_W': _p(next(ks), (5 * H, H)), 'pre_b': jnp.zeros((H,), jnp.float32),
        'act_W0': _p(next(ks), (H, H)), 'act_b0': jnp.zeros((H,), jnp.float32),
        'act_W1': _p(next(ks), (H, H)), 'act_b1': jnp.zeros((H,), jnp.float32),
        'act_W2': _p(next(ks), (H, H)), 'act_b2': jnp.zeros((H,), jnp.float32),
        'act_W3': _p(next(ks), (H, 1)), 'act_b3': jnp.zeros((1,), jnp.float32),
        'layers': [
            {'U': _p(next(ks), (H, H)), 'V1': _p(next(ks), (H, H)), 'V2': _p(next(ks), (H, H)),
             'A': _p(next(ks), (H, H)), 'Bm': _p(next(ks), (H, H))}
            for _ in range(NL)
        ],
    }
    return params


def setup_inputs(seed: int = 0):
    key = jax.random.key(seed)
    k1, kp = jax.random.split(key, 2)
    d_cur, t_cur = _make_tour(0, B, V)
    d_best, t_best = _make_tour(1, B, V)
    coords = jax.random.uniform(k1, (B, V, 2), dtype=jnp.float32)
    vals = jnp.sqrt(jnp.sum((coords[:, :, None, :] - coords[:, None, :, :]) ** 2, axis=-1) + 1e-12)
    return {
        'x_edges': jnp.ones((B, V, V), dtype=jnp.float32),
        'x_edges_values': vals,
        'x_nodes_coord': coords,
        'x_tour': jnp.asarray(t_cur),
        'x_best_tour': jnp.asarray(t_best),
        'x_tour_directed': jnp.asarray(d_cur),
        'params': _make_params(kp),
    }


def _bn(t):
    axes = tuple(range(t.ndim - 1))
    mu = t.mean(axis=axes, keepdims=True)
    var = t.var(axis=axes, keepdims=True)
    return (t - mu) / jnp.sqrt(var + 1e-5)


def _rgcn(params, x_cat, vals, coords):
    x = coords @ params['W_node'] + params['b_node']
    e_val = vals[..., None] @ params['W_eval'] + params['b_eval']
    e_cat = x_cat @ params['W_ecat'] + params['b_ecat']
    e = jnp.concatenate([e_val, e_cat], axis=-1)
    for lp in params['layers']:
        Ue = e @ lp['U']
        V1x = x @ lp['V1']
        V2x = x @ lp['V2']
        e_new = Ue + V1x[:, :, None, :] + V2x[:, None, :, :]
        gate = jax.nn.sigmoid(e_new)
        Ax = x @ lp['A']
        Bx = x @ lp['Bm']
        agg = jnp.sum(gate * Bx[:, None, :, :], axis=2) / (jnp.sum(gate, axis=2) + 1e-20)
        x = x + jax.nn.relu(_bn(Ax + agg))
        e = e + jax.nn.relu(_bn(e_new))
    return x, e


def _get_edge_quad_embs(e_emb, x_tour, x_tour_directed):
    b, v = e_emb.shape[0], e_emb.shape[1]
    ar = jnp.arange(v)
    mask = (x_tour > 0) & (ar[:, None] < ar[None, :])[None, :, :]
    bs0, us0, vs0 = jnp.nonzero(mask, size=b * v)
    tour_indices = jnp.stack([bs0, us0, vs0], axis=-1).reshape(b, v, 3)
    left = jnp.broadcast_to(tour_indices[:, :, None, :], (b, v, v, 3))
    right = jnp.broadcast_to(tour_indices[:, None, :, :], (b, v, v, 3))
    cat = jnp.concatenate([left, right], axis=3)
    rs, cs = jnp.triu_indices(v, k=1)
    cat = cat[:, rs, cs, :]
    nep = cat.shape[1]
    xd = x_tour_directed.astype(bool)
    bs = cat[:, :, 0].reshape(-1)
    us = cat[:, :, 1].reshape(-1)
    vs = cat[:, :, 2].reshape(-1)
    xs = cat[:, :, 4].reshape(-1)
    ys = cat[:, :, 5].reshape(-1)
    fl1 = ~xd[bs, us, vs]
    us2 = jnp.where(fl1, vs, us)
    vs2 = jnp.where(fl1, us, vs)
    fl2 = ~xd[bs, xs, ys]
    xs2 = jnp.where(fl2, ys, xs)
    ys2 = jnp.where(fl2, xs, ys)
    orig = jnp.concatenate([e_emb[bs, us2, vs2, :], e_emb[bs, xs2, ys2, :]], axis=1)
    new = jnp.concatenate([e_emb[bs, us2, xs2, :], e_emb[bs, vs2, ys2, :]], axis=1)
    quad = jnp.concatenate([orig, new], axis=1).reshape(b, nep, -1)
    return quad, cat


def _tour_logits(params, x_edges_values, x_nodes_coord, x_tour, x_best_tour, x_tour_directed):
    x_cat = jnp.stack([x_tour, x_best_tour], axis=3)
    _, e_emb = _rgcn(params, x_cat, x_edges_values, x_nodes_coord)
    tour_emb, cat = _get_edge_quad_embs(e_emb, x_tour, x_tour_directed)
    quad_vals, _ = _get_edge_quad_embs(x_edges_values[..., None], x_tour, x_tour_directed)
    cost = quad_vals[..., 2] + quad_vals[..., 3] - quad_vals[..., 0] - quad_vals[..., 1]
    cost_emb = cost[..., None] @ params['cost_W'] + params['cost_b']
    state = jnp.concatenate([tour_emb, cost_emb], axis=2)
    h = state @ params['pre_W'] + params['pre_b']
    for i in range(3):
        h = jax.nn.relu(h @ params['act_W%d' % i] + params['act_b%d' % i])
    logits = (h @ params['act_W3'] + params['act_b3'])[..., 0]
    return logits, cat


def reference(x_edges, x_edges_values, x_nodes_coord, x_tour, x_best_tour, x_tour_directed, params):
    b = x_edges.shape[0]
    logits, cat = _tour_logits(params, x_edges_values, x_nodes_coord, x_tour, x_best_tour, x_tour_directed)
    actions = jax.random.categorical(jax.random.key(42), jax.lax.stop_gradient(logits), axis=-1)
    pi = jax.nn.log_softmax(logits, axis=-1)[jnp.arange(b), actions]
    edges = cat[jnp.arange(b), actions].reshape(b, 2, 3)
    return edges, pi, actions

if __name__ == "__main__":
    import jax
    _d = setup_inputs()
    print(jax.jit(kernel)(*tuple(_d.values())))

</pallas_src>

<mosaic_0001>
#map = affine_map<(d0, d1) -> (0, 0)>
#map1 = affine_map<(d0, d1) -> (0)>
module attributes {stable_mosaic.version = 14 : i64} {
  func.func @_sc_gather_body(%arg0: i32, %arg1: i32, %arg2: memref<160000x128xf32, #tpu.memory_space<hbm>>, %arg3: memref<160000x128xf32, #tpu.memory_space<hbm>>, %arg4: memref<160000xi32, #tpu.memory_space<hbm>>, %arg5: memref<2048xi32, #tpu.memory_space<hbm>>, %arg6: memref<160000x128xf32, #tpu.memory_space<hbm>>, %arg7: memref<2048x128xf32, #tpu.memory_space<hbm>>, %arg8: memref<40xi32, #tpu.memory_space<vmem>>, %arg9: memref<40x128xf32, #tpu.memory_space<vmem>>, %arg10: memref<64xi32, #tpu.memory_space<vmem>>, %arg11: memref<64x128xf32, #tpu.memory_space<vmem>>, %arg12: memref<!tpu.dma_semaphore, #tpu.memory_space<semaphore_mem>>) attributes {dimension_semantics = [#tpu.dimension_semantics<core_parallel>, #tpu.dimension_semantics<subcore_parallel>], iteration_bounds = array<i64: 2, 16>, scalar_prefetch = 0 : i64, scratch_operands = 5 : i64, tpu.core_type = #tpu.core_type<sc_vector_subcore>, window_params = [{transform_indices = #map}, {transform_indices = #map}, {transform_indices = #map1}, {transform_indices = #map1}, {transform_indices = #map}, {transform_indices = #map}]} {
    %mul3A = arith.constant 2 : i32
    %mul3A_0 = arith.muli %arg1, %mul3A : i32
    %add3A = arith.addi %mul3A_0, %arg0 : i32
    %mul3A_1 = arith.constant 5000 : i32
    %mul3A_2 = arith.muli %add3A, %mul3A_1 : i32
    %scan3A = arith.constant 0 : i32
    %scan3A_3 = arith.constant 0 : i32
    %scan3A_4 = arith.constant 125 : i32
    %scan3A_5 = arith.addi %scan3A_3, %scan3A_4 : i32
    %scan3A_6 = arith.constant 1 : i32
    %scan3A_7 = scf.for %scan3A_15 = %scan3A_3 to %scan3A_5 step %scan3A_6 iter_args(%scan3A_16 = %scan3A) -> (i32)  : i32 {
      %mul3A_17 = arith.constant 40 : i32
      %mul3A_18 = arith.muli %scan3A_15, %mul3A_17 : i32
      %add3A_19 = arith.addi %mul3A_2, %mul3A_18 : i32
      "tpu.region"() ({
        %run_scoped3A = tpu.sem_alloc : memref<!tpu.dma_semaphore, #tpu.memory_space<semaphore_mem>>
        %dma_start3A_27 = tpu.memref_slice %arg4[%add3A_19] : memref<160000xi32, #tpu.memory_space<hbm>> -> memref<40xi32, #tpu.memory_space<hbm>>
        %dma_start3A_28 = tpu.memref_slice %arg4[%add3A_19] : memref<160000xi32, #tpu.memory_space<hbm>> -> memref<40xi32, #tpu.memory_space<hbm>>
        tpu.enqueue_dma source(%dma_start3A_28 : memref<40xi32, #tpu.memory_space<hbm>>) target(%arg8 : memref<40xi32, #tpu.memory_space<vmem>>) target_semaphore(%run_scoped3A : memref<!tpu.dma_semaphore, #tpu.memory_space<semaphore_mem>>)
        %dma_wait3A_29 = tpu.memref_slice %arg4[%add3A_19] : memref<160000xi32, #tpu.memory_space<hbm>> -> memref<40xi32, #tpu.memory_space<hbm>>
        %dma_wait3A_30 = tpu.memref_slice %arg4[%add3A_19] : memref<160000xi32, #tpu.memory_space<hbm>> -> memref<40xi32, #tpu.memory_space<hbm>>
        tpu.wait_dma2 semaphore(%run_scoped3A : memref<!tpu.dma_semaphore, #tpu.memory_space<semaphore_mem>>) src(%dma_wait3A_30 : memref<40xi32, #tpu.memory_space<hbm>>) dst(%arg8 : memref<40xi32, #tpu.memory_space<vmem>>)
        tpu.yield
      }) : () -> ()
      %dma_start3A_20 = arith.constant 0 : i32
      %dma_start3A_21 = arith.constant 0 : i32
      %dma_start3A_22 = tpu.memref_slice %arg2[%dma_start3A_20, %dma_start3A_21] : memref<160000x128xf32, #tpu.memory_space<hbm>> -> memref<160000x128xf32, #tpu.memory_space<hbm>>
      tpu.enqueue_indirect_dma source(%dma_start3A_22 : memref<160000x128xf32, #tpu.memory_space<hbm>>) target(%arg9 : memref<40x128xf32, #tpu.memory_space<vmem>>) offsets(%arg8 : memref<40xi32, #tpu.memory_space<vmem>>) semaphore(%arg12 : memref<!tpu.dma_semaphore, #tpu.memory_space<semaphore_mem>>)
      %dma_wait3A_23 = arith.constant 0 : i32
      %dma_wait3A_24 = arith.constant 0 : i32
      %dma_wait3A_25 = tpu.memref_slice %arg2[%dma_wait3A_23, %dma_wait3A_24] : memref<160000x128xf32, #tpu.memory_space<hbm>> -> memref<160000x128xf32, #tpu.memory_space<hbm>>
      tpu.wait_indirect_dma semaphore(%arg12 : memref<!tpu.dma_semaphore, #tpu.memory_space<semaphore_mem>>) src(%dma_wait3A_25 : memref<160000x128xf32, #tpu.memory_space<hbm>>) dst(%arg9 : memref<40x128xf32, #tpu.memory_space<vmem>>)
      "tpu.region"() ({
        %run_scoped3A = tpu.sem_alloc : memref<!tpu.dma_semaphore, #tpu.memory_space<semaphore_mem>>
        %dma_start3A_27 = arith.constant 0 : i32
        %dma_start3A_28 = tpu.memref_slice %arg6[%add3A_19, %dma_start3A_27] : memref<160000x128xf32, #tpu.memory_space<hbm>> -> memref<40x128xf32, #tpu.memory_space<hbm>>
        %dma_start3A_29 = arith.constant 0 : i32
        %dma_start3A_30 = tpu.memref_slice %arg6[%add3A_19, %dma_start3A_29] : memref<160000x128xf32, #tpu.memory_space<hbm>> -> memref<40x128xf32, #tpu.memory_space<hbm>>
        tpu.enqueue_dma source(%arg9 : memref<40x128xf32, #tpu.memory_space<vmem>>) target(%dma_start3A_30 : memref<40x128xf32, #tpu.memory_space<hbm>>) target_semaphore(%run_scoped3A : memref<!tpu.dma_semaphore, #tpu.memory_space<semaphore_mem>>)
        %dma_wait3A_31 = arith.constant 0 : i32
        %dma_wait3A_32 = tpu.memref_slice %arg6[%add3A_19, %dma_wait3A_31] : memref<160000x128xf32, #tpu.memory_space<hbm>> -> memref<40x128xf32, #tpu.memory_space<hbm>>
        %dma_wait3A_33 = arith.constant 0 : i32
        %dma_wait3A_34 = tpu.memref_slice %arg6[%add3A_19, %dma_wait3A_33] : memref<160000x128xf32, #tpu.memory_space<hbm>> -> memref<40x128xf32, #tpu.memory_space<hbm>>
        tpu.wait_dma2 semaphore(%run_scoped3A : memref<!tpu.dma_semaphore, #tpu.memory_space<semaphore_mem>>) src(%arg9 : memref<40x128xf32, #tpu.memory_space<vmem>>) dst(%dma_wait3A_34 : memref<40x128xf32, #tpu.memory_space<hbm>>)
        tpu.yield
      }) : () -> ()
      %scan3A_26 = arith.constant 0 : i32
      scf.yield %scan3A_26 : i32
    }
    %scan3A_8 = arith.constant 125 : i32
    %mul3A_9 = arith.constant 64 : i32
    %mul3A_10 = arith.muli %add3A, %mul3A_9 : i32
    "tpu.region"() ({
      %run_scoped3A = tpu.sem_alloc : memref<!tpu.dma_semaphore, #tpu.memory_space<semaphore_mem>>
      %dma_start3A_15 = tpu.memref_slice %arg5[%mul3A_10] : memref<2048xi32, #tpu.memory_space<hbm>> -> memref<64xi32, #tpu.memory_space<hbm>>
      %dma_start3A_16 = tpu.memref_slice %arg5[%mul3A_10] : memref<2048xi32, #tpu.memory_space<hbm>> -> memref<64xi32, #tpu.memory_space<hbm>>
      tpu.enqueue_dma source(%dma_start3A_16 : memref<64xi32, #tpu.memory_space<hbm>>) target(%arg10 : memref<64xi32, #tpu.memory_space<vmem>>) target_semaphore(%run_scoped3A : memref<!tpu.dma_semaphore, #tpu.memory_space<semaphore_mem>>)
      %dma_wait3A_17 = tpu.memref_slice %arg5[%mul3A_10] : memref<2048xi32, #tpu.memory_space<hbm>> -> memref<64xi32, #tpu.memory_space<hbm>>
      %dma_wait3A_18 = tpu.memref_slice %arg5[%mul3A_10] : memref<2048xi32, #tpu.memory_space<hbm>> -> memref<64xi32, #tpu.memory_space<hbm>>
      tpu.wait_dma2 semaphore(%run_scoped3A : memref<!tpu.dma_semaphore, #tpu.memory_space<semaphore_mem>>) src(%dma_wait3A_18 : memref<64xi32, #tpu.memory_space<hbm>>) dst(%arg10 : memref<64xi32, #tpu.memory_space<vmem>>)
      tpu.yield
    }) : () -> ()
    %dma_start3A = arith.constant 0 : i32
    %dma_start3A_11 = arith.constant 0 : i32
    %dma_start3A_12 = tpu.memref_slice %arg3[%dma_start3A, %dma_start3A_11] : memref<160000x128xf32, #tpu.memory_space<hbm>> -> memref<160000x128xf32, #tpu.memory_space<hbm>>
    tpu.enqueue_indirect_dma source(%dma_start3A_12 : memref<160000x128xf32, #tpu.memory_space<hbm>>) target(%arg11 : memref<64x128xf32, #tpu.memory_space<vmem>>) offsets(%arg10 : memref<64xi32, #tpu.memory_space<vmem>>) semaphore(%arg12 : memref<!tpu.dma_semaphore, #tpu.memory_space<semaphore_mem>>)
    %dma_wait3A = arith.constant 0 : i32
    %dma_wait3A_13 = arith.constant 0 : i32
    %dma_wait3A_14 = tpu.memref_slice %arg3[%dma_wait3A, %dma_wait3A_13] : memref<160000x128xf32, #tpu.memory_space<hbm>> -> memref<160000x128xf32, #tpu.memory_space<hbm>>
    tpu.wait_indirect_dma semaphore(%arg12 : memref<!tpu.dma_semaphore, #tpu.memory_space<semaphore_mem>>) src(%dma_wait3A_14 : memref<160000x128xf32, #tpu.memory_space<hbm>>) dst(%arg11 : memref<64x128xf32, #tpu.memory_space<vmem>>)
    "tpu.region"() ({
      %run_scoped3A = tpu.sem_alloc : memref<!tpu.dma_semaphore, #tpu.memory_space<semaphore_mem>>
      %dma_start3A_15 = arith.constant 0 : i32
      %dma_start3A_16 = tpu.memref_slice %arg7[%mul3A_10, %dma_start3A_15] : memref<2048x128xf32, #tpu.memory_space<hbm>> -> memref<64x128xf32, #tpu.memory_space<hbm>>
      %dma_start3A_17 = arith.constant 0 : i32
      %dma_start3A_18 = tpu.memref_slice %arg7[%mul3A_10, %dma_start3A_17] : memref<2048x128xf32, #tpu.memory_space<hbm>> -> memref<64x128xf32, #tpu.memory_space<hbm>>
      tpu.enqueue_dma source(%arg11 : memref<64x128xf32, #tpu.memory_space<vmem>>) target(%dma_start3A_18 : memref<64x128xf32, #tpu.memory_space<hbm>>) target_semaphore(%run_scoped3A : memref<!tpu.dma_semaphore, #tpu.memory_space<semaphore_mem>>)
      %dma_wait3A_19 = arith.constant 0 : i32
      %dma_wait3A_20 = tpu.memref_slice %arg7[%mul3A_10, %dma_wait3A_19] : memref<2048x128xf32, #tpu.memory_space<hbm>> -> memref<64x128xf32, #tpu.memory_space<hbm>>
      %dma_wait3A_21 = arith.constant 0 : i32
      %dma_wait3A_22 = tpu.memref_slice %arg7[%mul3A_10, %dma_wait3A_21] : memref<2048x128xf32, #tpu.memory_space<hbm>> -> memref<64x128xf32, #tpu.memory_space<hbm>>
      tpu.wait_dma2 semaphore(%run_scoped3A : memref<!tpu.dma_semaphore, #tpu.memory_space<semaphore_mem>>) src(%arg11 : memref<64x128xf32, #tpu.memory_space<vmem>>) dst(%dma_wait3A_22 : memref<64x128xf32, #tpu.memory_space<hbm>>)
      tpu.yield
    }) : () -> ()
    return
  }
}

module attributes {stable_mosaic.version = 14 : i64} {
  func.func @_s0_body(%arg0: memref<1600x8xf32, #tpu.memory_space<vmem>>, %arg1: memref<8x128xf32, #tpu.memory_space<vmem>>, %arg2: memref<1x128xf32, #tpu.memory_space<vmem>>, %arg3: memref<128x128xf32, #tpu.memory_space<vmem>>, %arg4: memref<128x128xf32, #tpu.memory_space<vmem>>, %arg5: memref<128x128xf32, #tpu.memory_space<vmem>>, %arg6: memref<1600x128xf32, #tpu.memory_space<vmem>>, %arg7: memref<1600x128xf32, #tpu.memory_space<vmem>>, %arg8: memref<1600x128xf32, #tpu.memory_space<vmem>>, %arg9: memref<1600x128xf32, #tpu.memory_space<vmem>>) attributes {dimension_semantics = [], scalar_prefetch = 0 : i64, scratch_operands = 0 : i64, tpu.core_type = #tpu.core_type<tc>} {
    %get3A = arith.constant 0 : index
    %get3A_0 = arith.constant 0 : index
    %get3A_1 = vector.load %arg0[%get3A, %get3A_0] : memref<1600x8xf32, #tpu.memory_space<vmem>>, vector<1600x8xf32>
    %get3A_2 = arith.constant 0 : index
    %get3A_3 = arith.constant 0 : index
    %get3A_4 = vector.load %arg1[%get3A_2, %get3A_3] : memref<8x128xf32, #tpu.memory_space<vmem>>, vector<8x128xf32>
    %dot_general3A = arith.constant dense<0.000000e+00> : vector<1600x128xf32>
    %dot_general3A_5 = tpu.matmul %get3A_1, %get3A_4, %dot_general3A {dimension_numbers = #tpu.dot_dimension_numbers<[1], [0], [0], [1], [0, 0, 1, 1], [], []>, precision = #tpu.contract_precision<fp32>, transpose_lhs_hint = false} : vector<1600x8xf32>, vector<8x128xf32>, vector<1600x128xf32> -> vector<1600x128xf32>
    %get3A_6 = arith.constant 0 : index
    %get3A_7 = arith.constant 0 : index
    %get3A_8 = vector.load %arg2[%get3A_6, %get3A_7] : memref<1x128xf32, #tpu.memory_space<vmem>>, vector<1x128xf32>
    %add3A = vector.broadcast %get3A_8 : vector<1x128xf32> to vector<1600x128xf32>
    %add3A_9 = arith.addf %dot_general3A_5, %add3A : vector<1600x128xf32>
    %swap3A = arith.constant 0 : index
    %swap3A_10 = arith.constant 0 : index
    %swap3A_11 = vector.load %arg6[%swap3A, %swap3A_10] : memref<1600x128xf32, #tpu.memory_space<vmem>>, vector<1600x128xf32>
    tpu.vector_store %arg6[%swap3A, %swap3A_10], %add3A_9 {strides = array<i32>} : memref<1600x128xf32, #tpu.memory_space<vmem>>, vector<1600x128xf32>,
    %get3A_12 = arith.constant 0 : index
    %get3A_13 = arith.constant 0 : index
    %get3A_14 = vector.load %arg3[%get3A_12, %get3A_13] : memref<128x128xf32, #tpu.memory_space<vmem>>, vector<128x128xf32>
    %dot_general3A_15 = arith.constant dense<0.000000e+00> : vector<1600x128xf32>
    %dot_general3A_16 = tpu.matmul %add3A_9, %get3A_14, %dot_general3A_15 {dimension_numbers = #tpu.dot_dimension_numbers<[1], [0], [0], [1], [0, 0, 1, 1], [], []>, precision = #tpu.contract_precision<fp32>, transpose_lhs_hint = false} : vector<1600x128xf32>, vector<128x128xf32>, vector<1600x128xf32> -> vector<1600x128xf32>
    %swap3A_17 = arith.constant 0 : index
    %swap3A_18 = arith.constant 0 : index
    %swap3A_19 = vector.load %arg7[%swap3A_17, %swap3A_18] : memref<1600x128xf32, #tpu.memory_space<vmem>>, vector<1600x128xf32>
    tpu.vector_store %arg7[%swap3A_17, %swap3A_18], %dot_general3A_16 {strides = array<i32>} : memref<1600x128xf32, #tpu.memory_space<vmem>>, vector<1600x128xf32>,
    %get3A_20 = arith.constant 0 : index
    %get3A_21 = arith.constant 0 : index
    %get3A_22 = vector.load %arg4[%get3A_20, %get3A_21] : memref<128x128xf32, #tpu.memory_space<vmem>>, vector<128x128xf32>
    %dot_general3A_23 = arith.constant dense<0.000000e+00> : vector<1600x128xf32>
    %dot_general3A_24 = tpu.matmul %add3A_9, %get3A_22, %dot_general3A_23 {dimension_numbers = #tpu.dot_dimension_numbers<[1], [0], [0], [1], [0, 0, 1, 1], [], []>, precision = #tpu.contract_precision<fp32>, transpose_lhs_hint = false} : vector<1600x128xf32>, vector<128x128xf32>, vector<1600x128xf32> -> vector<1600x128xf32>
    %swap3A_25 = arith.constant 0 : index
    %swap3A_26 = arith.constant 0 : index
    %swap3A_27 = vector.load %arg8[%swap3A_25, %swap3A_26] : memref<1600x128xf32, #tpu.memory_space<vmem>>, vector<1600x128xf32>
    tpu.vector_store %arg8[%swap3A_25, %swap3A_26], %dot_general3A_24 {strides = array<i32>} : memref<1600x128xf32, #tpu.memory_space<vmem>>, vector<1600x128xf32>,
    %get3A_28 = arith.constant 0 : index
    %get3A_29 = arith.constant 0 : index
    %get3A_30 = vector.load %arg5[%get3A_28, %get3A_29] : memref<128x128xf32, #tpu.memory_space<vmem>>, vector<128x128xf32>
    %dot_general3A_31 = arith.constant dense<0.000000e+00> : vector<1600x128xf32>
    %dot_general3A_32 = tpu.matmul %add3A_9, %get3A_30, %dot_general3A_31 {dimension_numbers = #tpu.dot_dimension_numbers<[1], [0], [0], [1], [0, 0, 1, 1], [], []>, precision = #tpu.contract_precision<fp32>, transpose_lhs_hint = false} : vector<1600x128xf32>, vector<128x128xf32>, vector<1600x128xf32> -> vector<1600x128xf32>
    %swap3A_33 = arith.constant 0 : index
    %swap3A_34 = arith.constant 0 : index
    %swap3A_35 = vector.load %arg9[%swap3A_33, %swap3A_34] : memref<1600x128xf32, #tpu.memory_space<vmem>>, vector<1600x128xf32>
    tpu.vector_store %arg9[%swap3A_33, %swap3A_34], %dot_general3A_32 {strides = array<i32>} : memref<1600x128xf32, #tpu.memory_space<vmem>>, vector<1600x128xf32>,
    return
  }
}

module attributes {stable_mosaic.version = 14 : i64} {
  func.func @_b0_body(%arg0: i32, %arg1: i32, %arg2: memref<1x2000x8xf32, #tpu.memory_space<vmem>>, %arg3: memref<8x128xf32, #tpu.memory_space<vmem>>, %arg4: memref<1x1x20x128xf32, #tpu.memory_space<vmem>>, %arg5: memref<1x100x128xf32, #tpu.memory_space<vmem>>, %arg6: memref<1x100x128xf32, #tpu.memory_space<vmem>>, %arg7: memref<128x128xf32, #tpu.memory_space<vmem>>, %arg8: memref<2000x20xf32, #tpu.memory_space<vmem>>, %arg9: memref<2000x100xf32, #tpu.memory_space<vmem>>, %arg10: memref<20x2000xf32, #tpu.memory_space<vmem>>, %arg11: memref<1x2000x128xf32, #tpu.memory_space<vmem>>, %arg12: memref<1x2000x128xf32, #tpu.memory_space<vmem>>, %arg13: memref<8x128xf32, #tpu.memory_space<vmem>>, %arg14: memref<1x1x20x128xf32, #tpu.memory_space<vmem>>, %arg15: memref<1x1x20x128xf32, #tpu.memory_space<vmem>>) attributes {dimension_semantics = [#tpu.dimension_semantics<arbitrary>, #tpu.dimension_semantics<arbitrary>], iteration_bounds = array<i64: 16, 5>, scalar_prefetch = 0 : i64, scratch_operands = 0 : i64, tpu.core_type = #tpu.core_type<tc>, window_params = [{transform_indices = @transform_0, window_bounds = array<i64: 1, 2000, 8>}, {pipeline_mode = #tpu.pipeline_mode<synchronous>, transform_indices = @transform_1, window_bounds = array<i64: 8, 128>}, {transform_indices = @transform_2, window_bounds = array<i64: 1, 1, 20, 128>}, {transform_indices = @transform_3, window_bounds = array<i64: 1, 100, 128>}, {transform_indices = @transform_4, window_bounds = array<i64: 1, 100, 128>}, {pipeline_mode = #tpu.pipeline_mode<synchronous>, transform_indices = @transform_5, window_bounds = array<i64: 128, 128>}, {pipeline_mode = #tpu.pipeline_mode<synchronous>, transform_indices = @transform_6, window_bounds = array<i64: 2000, 20>}, {pipeline_mode = #tpu.pipeline_mode<synchronous>, transform_indices = @transform_7, window_bounds = array<i64: 2000, 100>}, {pipeline_mode = #tpu.pipeline_mode<synchronous>, transform_indices = @transform_8, window_bounds = array<i64: 20, 2000>}, {transform_indices = @transform_9, window_bounds = array<i64: 1, 2000, 128>}, {transform_indices = @transform_10, window_bounds = array<i64: 1, 2000, 128>}, {pipeline_mode = #tpu.pipeline_mode<synchronous>, transform_indices = @transform_11, window_bounds = array<i64: 8, 128>}, {transform_indices = @transform_12, window_bounds = array<i64: 1, 1, 20, 128>}, {transform_indices = @transform_13, window_bounds = array<i64: 1, 1, 20, 128>}]} {
    %get3A = arith.constant 0 : index
    %get3A_0 = arith.constant 0 : index
    %get3A_1 = arith.constant 0 : index
    %get3A_2 = vector.load %arg2[%get3A, %get3A_0, %get3A_1] : memref<1x2000x8xf32, #tpu.memory_space<vmem>>, vector<1x2000x8xf32>
    %get3A_3 = vector.shape_cast %get3A_2 : vector<1x2000x8xf32> to vector<2000x8xf32>
    %get3A_4 = arith.constant 0 : index
    %get3A_5 = arith.constant 0 : index
    %get3A_6 = vector.load %arg3[%get3A_4, %get3A_5] : memref<8x128xf32, #tpu.memory_space<vmem>>, vector<8x128xf32>
    %dot_general3A = arith.constant dense<0.000000e+00> : vector<2000x128xf32>
    %dot_general3A_7 = tpu.matmul %get3A_3, %get3A_6, %dot_general3A {dimension_numbers = #tpu.dot_dimension_numbers<[1], [0], [0], [1], [0, 0, 1, 1], [], []>, precision = #tpu.contract_precision<fp32>, transpose_lhs_hint = false} : vector<2000x8xf32>, vector<8x128xf32>, vector<2000x128xf32> -> vector<2000x128xf32>
    %get3A_8 = arith.constant 0 : index
    %get3A_9 = arith.constant 0 : index
    %get3A_10 = vector.load %arg7[%get3A_8, %get3A_9] : memref<128x128xf32, #tpu.memory_space<vmem>>, vector<128x128xf32>
    %dot_general3A_11 = arith.constant dense<0.000000e+00> : vector<2000x128xf32>
    %dot_general3A_12 = tpu.matmul %dot_general3A_7, %get3A_10, %dot_general3A_11 {dimension_numbers = #tpu.dot_dimension_numbers<[1], [0], [0], [1], [0, 0, 1, 1], [], []>, precision = #tpu.contract_precision<fp32>, transpose_lhs_hint = false} : vector<2000x128xf32>, vector<128x128xf32>, vector<2000x128xf32> -> vector<2000x128xf32>
    %get3A_13 = arith.constant 0 : index
    %get3A_14 = arith.constant 0 : index
    %get3A_15 = vector.load %arg8[%get3A_13, %get3A_14] : memref<2000x20xf32, #tpu.memory_space<vmem>>, vector<2000x20xf32>
    %get3A_16 = arith.constant 0 : index
    %get3A_17 = arith.constant 0 : index
    %get3A_18 = arith.constant 0 : index
    %get3A_19 = arith.constant 0 : index
    %get3A_20 = vector.load %arg4[%get3A_16, %get3A_17, %get3A_18, %get3A_19] : memref<1x1x20x128xf32, #tpu.memory_space<vmem>>, vector<1x1x20x128xf32>
    %get3A_21 = vector.shape_cast %get3A_20 : vector<1x1x20x128xf32> to vector<20x128xf32>
    %dot_general3A_22 = arith.constant dense<0.000000e+00> : vector<2000x128xf32>
    %dot_general3A_23 = tpu.matmul %get3A_15, %get3A_21, %dot_general3A_22 {dimension_numbers = #tpu.dot_dimension_numbers<[1], [0], [0], [1], [0, 0, 1, 1], [], []>, precision = #tpu.contract_precision<fp32>, transpose_lhs_hint = false} : vector<2000x20xf32>, vector<20x128xf32>, vector<2000x128xf32> -> vector<2000x128xf32>
    %add3A = arith.addf %dot_general3A_12, %dot_general3A_23 : vector<2000x128xf32>
    %get3A_24 = arith.constant 0 : index
    %get3A_25 = arith.constant 0 : index
    %get3A_26 = vector.load %arg9[%get3A_24, %get3A_25] : memref<2000x100xf32, #tpu.memory_space<vmem>>, vector<2000x100xf32>
    %get3A_27 = arith.constant 0 : index
    %get3A_28 = arith.constant 0 : index
    %get3A_29 = arith.constant 0 : index
    %get3A_30 = vector.load %arg5[%get3A_27, %get3A_28, %get3A_29] : memref<1x100x128xf32, #tpu.memory_space<vmem>>, vector<1x100x128xf32>
    %get3A_31 = vector.shape_cast %get3A_30 : vector<1x100x128xf32> to vector<100x128xf32>
    %dot_general3A_32 = arith.constant dense<0.000000e+00> : vector<2000x128xf32>
    %dot_general3A_33 = tpu.matmul %get3A_26, %get3A_31, %dot_general3A_32 {dimension_numbers = #tpu.dot_dimension_numbers<[1], [0], [0], [1], [0, 0, 1, 1], [], []>, precision = #tpu.contract_precision<fp32>, transpose_lhs_hint = false} : vector<2000x100xf32>, vector<100x128xf32>, vector<2000x128xf32> -> vector<2000x128xf32>
    %add3A_34 = arith.addf %add3A, %dot_general3A_33 : vector<2000x128xf32>
    %swap3A = arith.constant 0 : index
    %swap3A_35 = arith.constant 0 : index
    %swap3A_36 = arith.constant 0 : index
    %swap3A_37 = vector.load %arg11[%swap3A, %swap3A_35, %swap3A_36] : memref<1x2000x128xf32, #tpu.memory_space<vmem>>, vector<1x2000x128xf32>
    %swap3A_38 = vector.shape_cast %swap3A_37 : vector<1x2000x128xf32> to vector<2000x128xf32>
    %swap3A_39 = vector.shape_cast %dot_general3A_7 : vector<2000x128xf32> to vector<1x2000x128xf32>
    tpu.vector_store %arg11[%swap3A, %swap3A_35, %swap3A_36], %swap3A_39 {strides = array<i32>} : memref<1x2000x128xf32, #tpu.memory_space<vmem>>, vector<1x2000x128xf32>,
    %swap3A_40 = arith.constant 0 : index
    %swap3A_41 = arith.constant 0 : index
    %swap3A_42 = arith.constant 0 : index
    %swap3A_43 = vector.load %arg12[%swap3A_40, %swap3A_41, %swap3A_42] : memref<1x2000x128xf32, #tpu.memory_space<vmem>>, vector<1x2000x128xf32>
    %swap3A_44 = vector.shape_cast %swap3A_43 : vector<1x2000x128xf32> to vector<2000x128xf32>
    %swap3A_45 = vector.shape_cast %add3A_34 : vector<2000x128xf32> to vector<1x2000x128xf32>
    tpu.vector_store %arg12[%swap3A_40, %swap3A_41, %swap3A_42], %swap3A_45 {strides = array<i32>} : memref<1x2000x128xf32, #tpu.memory_space<vmem>>, vector<1x2000x128xf32>,
    %logistic3A = arith.negf %add3A_34 : vector<2000x128xf32>
    %logistic3A_46 = math.exp %logistic3A : vector<2000x128xf32>
    %logistic3A_47 = arith.constant 1.000000e+00 : f32
    %logistic3A_48 = vector.broadcast %logistic3A_47 : f32 to vector<2000x128xf32>
    %logistic3A_49 = arith.addf %logistic3A_48, %logistic3A_46 : vector<2000x128xf32>
    %logistic3A_50 = arith.divf %logistic3A_48, %logistic3A_49 : vector<2000x128xf32>
    %get3A_51 = arith.constant 0 : index
    %get3A_52 = arith.constant 0 : index
    %get3A_53 = vector.load %arg10[%get3A_51, %get3A_52] : memref<20x2000xf32, #tpu.memory_space<vmem>>, vector<20x2000xf32>
    %dot_general3A_54 = arith.constant dense<0.000000e+00> : vector<20x128xf32>
    %dot_general3A_55 = tpu.matmul %get3A_53, %logistic3A_50, %dot_general3A_54 {dimension_numbers = #tpu.dot_dimension_numbers<[1], [0], [0], [1], [0, 0, 1, 1], [], []>, precision = #tpu.contract_precision<fp32>, transpose_lhs_hint = false} : vector<20x2000xf32>, vector<2000x128xf32>, vector<20x128xf32> -> vector<20x128xf32>
    %swap3A_56 = arith.constant 0 : index
    %swap3A_57 = arith.constant 0 : index
    %swap3A_58 = arith.constant 0 : index
    %swap3A_59 = arith.constant 0 : index
    %swap3A_60 = vector.load %arg14[%swap3A_56, %swap3A_57, %swap3A_58, %swap3A_59] : memref<1x1x20x128xf32, #tpu.memory_space<vmem>>, vector<1x1x20x128xf32>
    %swap3A_61 = vector.shape_cast %swap3A_60 : vector<1x1x20x128xf32> to vector<20x128xf32>
    %swap3A_62 = vector.shape_cast %dot_general3A_55 : vector<20x128xf32> to vector<1x1x20x128xf32>
    tpu.vector_store %arg14[%swap3A_56, %swap3A_57, %swap3A_58, %swap3A_59], %swap3A_62 {strides = array<i32>} : memref<1x1x20x128xf32, #tpu.memory_space<vmem>>, vector<1x1x20x128xf32>,
    %get3A_63 = arith.constant 0 : index
    %get3A_64 = arith.constant 0 : index
    %get3A_65 = vector.load %arg9[%get3A_63, %get3A_64] : memref<2000x100xf32, #tpu.memory_space<vmem>>, vector<2000x100xf32>
    %get3A_66 = arith.constant 0 : index
    %get3A_67 = arith.constant 0 : index
    %get3A_68 = arith.constant 0 : index
    %get3A_69 = vector.load %arg6[%get3A_66, %get3A_67, %get3A_68] : memref<1x100x128xf32, #tpu.memory_space<vmem>>, vector<1x100x128xf32>
    %get3A_70 = vector.shape_cast %get3A_69 : vector<1x100x128xf32> to vector<100x128xf32>
    %dot_general3A_71 = arith.constant dense<0.000000e+00> : vector<2000x128xf32>
    %dot_general3A_72 = tpu.matmul %get3A_65, %get3A_70, %dot_general3A_71 {dimension_numbers = #tpu.dot_dimension_numbers<[1], [0], [0], [1], [0, 0, 1, 1], [], []>, precision = #tpu.contract_precision<fp32>, transpose_lhs_hint = false} : vector<2000x100xf32>, vector<100x128xf32>, vector<2000x128xf32> -> vector<2000x128xf32>
    %get3A_73 = arith.constant 0 : index
    %get3A_74 = arith.constant 0 : index
    %get3A_75 = vector.load %arg10[%get3A_73, %get3A_74] : memref<20x2000xf32, #tpu.memory_space<vmem>>, vector<20x2000xf32>
    %mul3A = arith.mulf %logistic3A_50, %dot_general3A_72 : vector<2000x128xf32>
    %dot_general3A_76 = arith.constant dense<0.000000e+00> : vector<20x128xf32>
    %dot_general3A_77 = tpu.matmul %get3A_75, %mul3A, %dot_general3A_76 {dimension_numbers = #tpu.dot_dimension_numbers<[1], [0], [0], [1], [0, 0, 1, 1], [], []>, precision = #tpu.contract_precision<fp32>, transpose_lhs_hint = false} : vector<20x2000xf32>, vector<2000x128xf32>, vector<20x128xf32> -> vector<20x128xf32>
    %swap3A_78 = arith.constant 0 : index
    %swap3A_79 = arith.constant 0 : index
    %swap3A_80 = arith.constant 0 : index
    %swap3A_81 = arith.constant 0 : index
    %swap3A_82 = vector.load %arg15[%swap3A_78, %swap3A_79, %swap3A_80, %swap3A_81] : memref<1x1x20x128xf32, #tpu.memory_space<vmem>>, vector<1x1x20x128xf32>
    %swap3A_83 = vector.shape_cast %swap3A_82 : vector<1x1x20x128xf32> to vector<20x128xf32>
    %swap3A_84 = vector.shape_cast %dot_general3A_77 : vector<20x128xf32> to vector<1x1x20x128xf32>
    tpu.vector_store %arg15[%swap3A_78, %swap3A_79, %swap3A_80, %swap3A_81], %swap3A_84 {strides = array<i32>} : memref<1x1x20x128xf32, #tpu.memory_space<vmem>>, vector<1x1x20x128xf32>,
    %eq3A = arith.constant 0 : i32
    %eq3A_85 = arith.cmpi eq, %arg0, %eq3A : i32
    %eq3A_86 = arith.constant 0 : i32
    %eq3A_87 = arith.cmpi eq, %arg1, %eq3A_86 : i32
    %and3A = arith.andi %eq3A_85, %eq3A_87 : i1
    %convert_element_type3A = arith.extui %and3A : i1 to i32
    %cond3A = arith.constant 0 : i32
    %cond3A_88 = arith.cmpi ne, %convert_element_type3A, %cond3A : i32
    scf.if %cond3A_88 {
      %broadcast_in_dim3A_108 = arith.constant 0.000000e+00 : f32
      %broadcast_in_dim3A_109 = vector.broadcast %broadcast_in_dim3A_108 : f32 to vector<8x128xf32>
      %swap3A_110 = arith.constant 0 : index
      %swap3A_111 = arith.constant 0 : index
      %swap3A_112 = vector.load %arg13[%swap3A_110, %swap3A_111] : memref<8x128xf32, #tpu.memory_space<vmem>>, vector<8x128xf32>
      tpu.vector_store %arg13[%swap3A_110, %swap3A_111], %broadcast_in_dim3A_109 {strides = array<i32>} : memref<8x128xf32, #tpu.memory_space<vmem>>, vector<8x128xf32>,
    } else {
    }
    %get3A_89 = arith.constant 0 : index
    %get3A_90 = arith.constant 0 : index
    %get3A_91 = vector.load %arg13[%get3A_89, %get3A_90] : memref<8x128xf32, #tpu.memory_space<vmem>>, vector<1x128xf32>
    %reduce_sum3A = arith.constant dense<0.000000e+00> : vector<128xf32>
    %reduce_sum3A_92 = vector.multi_reduction <add>, %add3A_34, %reduce_sum3A [0] : vector<2000x128xf32> to vector<128xf32>
    %broadcast_in_dim3A = vector.shape_cast %reduce_sum3A_92 : vector<128xf32> to vector<1x128xf32>
    %add3A_93 = arith.addf %get3A_91, %broadcast_in_dim3A : vector<1x128xf32>
    %swap3A_94 = arith.constant 0 : index
    %swap3A_95 = arith.constant 0 : index
    %swap3A_96 = vector.load %arg13[%swap3A_94, %swap3A_95] : memref<8x128xf32, #tpu.memory_space<vmem>>, vector<1x128xf32>
    tpu.vector_store %arg13[%swap3A_94, %swap3A_95], %add3A_93 {strides = array<i32>} : memref<8x128xf32, #tpu.memory_space<vmem>>, vector<1x128xf32>,
    %get3A_97 = arith.constant 1 : index
    %get3A_98 = arith.constant 0 : index
    %get3A_99 = vector.load %arg13[%get3A_97, %get3A_98] : memref<8x128xf32, #tpu.memory_space<vmem>>, vector<1x128xf32>
    %mul3A_100 = arith.mulf %add3A_34, %add3A_34 : vector<2000x128xf32>
    %reduce_sum3A_101 = arith.constant dense<0.000000e+00> : vector<128xf32>
    %reduce_sum3A_102 = vector.multi_reduction <add>, %mul3A_100, %reduce_sum3A_101 [0] : vector<2000x128xf32> to vector<128xf32>
    %broadcast_in_dim3A_103 = vector.shape_cast %reduce_sum3A_102 : vector<128xf32> to vector<1x128xf32>
    %add3A_104 = arith.addf %get3A_99, %broadcast_in_dim3A_103 : vector<1x128xf32>
    %swap3A_105 = arith.constant 1 : index
    %swap3A_106 = arith.constant 0 : index
    %swap3A_107 = vector.load %arg13[%swap3A_105, %swap3A_106] : memref<8x128xf32, #tpu.memory_space<vmem>>, vector<1x128xf32>
    tpu.vector_store %arg13[%swap3A_105, %swap3A_106], %add3A_104 {strides = array<i32>} : memref<8x128xf32, #tpu.memory_space<vmem>>, vector<1x128xf32>,
    return
  }
  func.func @transform_0(%arg0: i32, %arg1: i32) -> (i32, i32, i32) {
    %c0_i32 = arith.constant 0 : i32
    %c0_i32_0 = arith.constant 0 : i32
    return %arg0, %arg1, %c0_i32 : i32, i32, i32
  }
  func.func @transform_1(%arg0: i32, %arg1: i32) -> (i32, i32) {
    %c0_i32 = arith.constant 0 : i32
    %c0_i32_0 = arith.constant 0 : i32
    %c0_i32_1 = arith.constant 0 : i32
    return %c0_i32, %c0_i32_0 : i32, i32
  }
  func.func @transform_2(%arg0: i32, %arg1: i32) -> (i32, i32, i32, i32) {
    %c0_i32 = arith.constant 0 : i32
    %c0_i32_0 = arith.constant 0 : i32
    %c0_i32_1 = arith.constant 0 : i32
    return %arg0, %arg1, %c0_i32, %c0_i32_0 : i32, i32, i32, i32
  }
  func.func @transform_3(%arg0: i32, %arg1: i32) -> (i32, i32, i32) {
    %c0_i32 = arith.constant 0 : i32
    %c0_i32_0 = arith.constant 0 : i32
    %c0_i32_1 = arith.constant 0 : i32
    return %arg0, %c0_i32, %c0_i32_0 : i32, i32, i32
  }
  func.func @transform_4(%arg0: i32, %arg1: i32) -> (i32, i32, i32) {
    %c0_i32 = arith.constant 0 : i32
    %c0_i32_0 = arith.constant 0 : i32
    %c0_i32_1 = arith.constant 0 : i32
    return %arg0, %c0_i32, %c0_i32_0 : i32, i32, i32
  }
  func.func @transform_5(%arg0: i32, %arg1: i32) -> (i32, i32) {
    %c0_i32 = arith.constant 0 : i32
    %c0_i32_0 = arith.constant 0 : i32
    %c0_i32_1 = arith.constant 0 : i32
    return %c0_i32, %c0_i32_0 : i32, i32
  }
  func.func @transform_6(%arg0: i32, %arg1: i32) -> (i32, i32) {
    %c0_i32 = arith.constant 0 : i32
    %c0_i32_0 = arith.constant 0 : i32
    %c0_i32_1 = arith.constant 0 : i32
    return %c0_i32, %c0_i32_0 : i32, i32
  }
  func.func @transform_7(%arg0: i32, %arg1: i32) -> (i32, i32) {
    %c0_i32 = arith.constant 0 : i32
    %c0_i32_0 = arith.constant 0 : i32
    %c0_i32_1 = arith.constant 0 : i32
    return %c0_i32, %c0_i32_0 : i32, i32
  }
  func.func @transform_8(%arg0: i32, %arg1: i32) -> (i32, i32) {
    %c0_i32 = arith.constant 0 : i32
    %c0_i32_0 = arith.constant 0 : i32
    %c0_i32_1 = arith.constant 0 : i32
    return %c0_i32, %c0_i32_0 : i32, i32
  }
  func.func @transform_9(%arg0: i32, %arg1: i32) -> (i32, i32, i32) {
    %c0_i32 = arith.constant 0 : i32
    %c0_i32_0 = arith.constant 0 : i32
    return %arg0, %arg1, %c0_i32 : i32, i32, i32
  }
  func.func @transform_10(%arg0: i32, %arg1: i32) -> (i32, i32, i32) {
    %c0_i32 = arith.constant 0 : i32
    %c0_i32_0 = arith.constant 0 : i32
    return %arg0, %arg1, %c0_i32 : i32, i32, i32
  }
  func.func @transform_11(%arg0: i32, %arg1: i32) -> (i32, i32) {
    %c0_i32 = arith.constant 0 : i32
    %c0_i32_0 = arith.constant 0 : i32
    %c0_i32_1 = arith.constant 0 : i32
    return %c0_i32, %c0_i32_0 : i32, i32
  }
  func.func @transform_12(%arg0: i32, %arg1: i32) -> (i32, i32, i32, i32) {
    %c0_i32 = arith.constant 0 : i32
    %c0_i32_0 = arith.constant 0 : i32
    %c0_i32_1 = arith.constant 0 : i32
    return %arg0, %arg1, %c0_i32, %c0_i32_0 : i32, i32, i32, i32
  }
  func.func @transform_13(%arg0: i32, %arg1: i32) -> (i32, i32, i32, i32) {
    %c0_i32 = arith.constant 0 : i32
    %c0_i32_0 = arith.constant 0 : i32
    %c0_i32_1 = arith.constant 0 : i32
    return %arg0, %arg1, %c0_i32, %c0_i32_0 : i32, i32, i32, i32
  }
}

module attributes {stable_mosaic.version = 14 : i64} {
  func.func @_sl_body(%arg0: memref<1600x128xf32, #tpu.memory_space<vmem>>, %arg1: memref<1600x128xf32, #tpu.memory_space<vmem>>, %arg2: memref<1600x128xf32, #tpu.memory_space<vmem>>, %arg3: memref<128x128xf32, #tpu.memory_space<vmem>>, %arg4: memref<128x128xf32, #tpu.memory_space<vmem>>, %arg5: memref<128x128xf32, #tpu.memory_space<vmem>>, %arg6: memref<128x128xf32, #tpu.memory_space<vmem>>, %arg7: memref<1600x128xf32, #tpu.memory_space<vmem>>, %arg8: memref<1600x128xf32, #tpu.memory_space<vmem>>, %arg9: memref<1600x128xf32, #tpu.memory_space<vmem>>, %arg10: memref<1600x128xf32, #tpu.memory_space<vmem>>) attributes {dimension_semantics = [], scalar_prefetch = 0 : i64, scratch_operands = 0 : i64, tpu.core_type = #tpu.core_type<tc>} {
    %get3A = arith.constant 0 : index
    %get3A_0 = arith.constant 0 : index
    %get3A_1 = vector.load %arg0[%get3A, %get3A_0] : memref<1600x128xf32, #tpu.memory_space<vmem>>, vector<1600x128xf32>
    %get3A_2 = arith.constant 0 : index
    %get3A_3 = arith.constant 0 : index
    %get3A_4 = vector.load %arg3[%get3A_2, %get3A_3] : memref<128x128xf32, #tpu.memory_space<vmem>>, vector<128x128xf32>
    %dot_general3A = arith.constant dense<0.000000e+00> : vector<1600x128xf32>
    %dot_general3A_5 = tpu.matmul %get3A_1, %get3A_4, %dot_general3A {dimension_numbers = #tpu.dot_dimension_numbers<[1], [0], [0], [1], [0, 0, 1, 1], [], []>, precision = #tpu.contract_precision<fp32>, transpose_lhs_hint = false} : vector<1600x128xf32>, vector<128x128xf32>, vector<1600x128xf32> -> vector<1600x128xf32>
    %get3A_6 = arith.constant 0 : index
    %get3A_7 = arith.constant 0 : index
    %get3A_8 = vector.load %arg1[%get3A_6, %get3A_7] : memref<1600x128xf32, #tpu.memory_space<vmem>>, vector<1600x128xf32>
    %get3A_9 = arith.constant 0 : index
    %get3A_10 = arith.constant 0 : index
    %get3A_11 = vector.load %arg2[%get3A_9, %get3A_10] : memref<1600x128xf32, #tpu.memory_space<vmem>>, vector<1600x128xf32>
    %add3A = arith.constant 9.99999968E-21 : f32
    %add3A_12 = vector.broadcast %add3A : f32 to vector<1600x128xf32>
    %add3A_13 = arith.addf %get3A_11, %add3A_12 : vector<1600x128xf32>
    %div3A = arith.divf %get3A_8, %add3A_13 : vector<1600x128xf32>
    %add3A_14 = arith.addf %dot_general3A_5, %div3A : vector<1600x128xf32>
    %reduce_sum3A = arith.constant dense<0.000000e+00> : vector<128xf32>
    %reduce_sum3A_15 = vector.multi_reduction <add>, %add3A_14, %reduce_sum3A [0] : vector<1600x128xf32> to vector<128xf32>
    %broadcast_in_dim3A = vector.shape_cast %reduce_sum3A_15 : vector<128xf32> to vector<1x128xf32>
    %div3A_16 = arith.constant 1.600000e+03 : f32
    %div3A_17 = vector.broadcast %div3A_16 : f32 to vector<1x128xf32>
    %div3A_18 = arith.divf %broadcast_in_dim3A, %div3A_17 : vector<1x128xf32>
    %sub3A = vector.broadcast %div3A_18 : vector<1x128xf32> to vector<1600x128xf32>
    %sub3A_19 = arith.subf %add3A_14, %sub3A : vector<1600x128xf32>
    %sub3A_20 = vector.broadcast %div3A_18 : vector<1x128xf32> to vector<1600x128xf32>
    %sub3A_21 = arith.subf %add3A_14, %sub3A_20 : vector<1600x128xf32>
    %mul3A = arith.mulf %sub3A_19, %sub3A_21 : vector<1600x128xf32>
    %reduce_sum3A_22 = arith.constant dense<0.000000e+00> : vector<128xf32>
    %reduce_sum3A_23 = vector.multi_reduction <add>, %mul3A, %reduce_sum3A_22 [0] : vector<1600x128xf32> to vector<128xf32>
    %broadcast_in_dim3A_24 = vector.shape_cast %reduce_sum3A_23 : vector<128xf32> to vector<1x128xf32>
    %div3A_25 = arith.constant 1.600000e+03 : f32
    %div3A_26 = vector.broadcast %div3A_25 : f32 to vector<1x128xf32>
    %div3A_27 = arith.divf %broadcast_in_dim3A_24, %div3A_26 : vector<1x128xf32>
    %sub3A_28 = vector.broadcast %div3A_18 : vector<1x128xf32> to vector<1600x128xf32>
    %sub3A_29 = arith.subf %add3A_14, %sub3A_28 : vector<1600x128xf32>
    %add3A_30 = arith.constant 9.99999974E-6 : f32
    %add3A_31 = vector.broadcast %add3A_30 : f32 to vector<1x128xf32>
    %add3A_32 = arith.addf %div3A_27, %add3A_31 : vector<1x128xf32>
    %rsqrt3A = math.rsqrt %add3A_32 : vector<1x128xf32>
    %mul3A_33 = vector.broadcast %rsqrt3A : vector<1x128xf32> to vector<1600x128xf32>
    %mul3A_34 = arith.mulf %sub3A_29, %mul3A_33 : vector<1600x128xf32>
    %max3A = arith.constant 0.000000e+00 : f32
    %max3A_35 = vector.broadcast %max3A : f32 to vector<1600x128xf32>
    %max3A_36 = arith.maximumf %mul3A_34, %max3A_35 : vector<1600x128xf32>
    %add3A_37 = arith.addf %get3A_1, %max3A_36 : vector<1600x128xf32>
    %swap3A = arith.constant 0 : index
    %swap3A_38 = arith.constant 0 : index
    %swap3A_39 = vector.load %arg7[%swap3A, %swap3A_38] : memref<1600x128xf32, #tpu.memory_space<vmem>>, vector<1600x128xf32>
    tpu.vector_store %arg7[%swap3A, %swap3A_38], %add3A_37 {strides = array<i32>} : memref<1600x128xf32, #tpu.memory_space<vmem>>, vector<1600x128xf32>,
    %get3A_40 = arith.constant 0 : index
    %get3A_41 = arith.constant 0 : index
    %get3A_42 = vector.load %arg4[%get3A_40, %get3A_41] : memref<128x128xf32, #tpu.memory_space<vmem>>, vector<128x128xf32>
    %dot_general3A_43 = arith.constant dense<0.000000e+00> : vector<1600x128xf32>
    %dot_general3A_44 = tpu.matmul %add3A_37, %get3A_42, %dot_general3A_43 {dimension_numbers = #tpu.dot_dimension_numbers<[1], [0], [0], [1], [0, 0, 1, 1], [], []>, precision = #tpu.contract_precision<fp32>, transpose_lhs_hint = false} : vector<1600x128xf32>, vector<128x128xf32>, vector<1600x128xf32> -> vector<1600x128xf32>
    %swap3A_45 = arith.constant 0 : index
    %swap3A_46 = arith.constant 0 : index
    %swap3A_47 = vector.load %arg8[%swap3A_45, %swap3A_46] : memref<1600x128xf32, #tpu.memory_space<vmem>>, vector<1600x128xf32>
    tpu.vector_store %arg8[%swap3A_45, %swap3A_46], %dot_general3A_44 {strides = array<i32>} : memref<1600x128xf32, #tpu.memory_space<vmem>>, vector<1600x128xf32>,
    %get3A_48 = arith.constant 0 : index
    %get3A_49 = arith.constant 0 : index
    %get3A_50 = vector.load %arg5[%get3A_48, %get3A_49] : memref<128x128xf32, #tpu.memory_space<vmem>>, vector<128x128xf32>
    %dot_general3A_51 = arith.constant dense<0.000000e+00> : vector<1600x128xf32>
    %dot_general3A_52 = tpu.matmul %add3A_37, %get3A_50, %dot_general3A_51 {dimension_numbers = #tpu.dot_dimension_numbers<[1], [0], [0], [1], [0, 0, 1, 1], [], []>, precision = #tpu.contract_precision<fp32>, transpose_lhs_hint = false} : vector<1600x128xf32>, vector<128x128xf32>, vector<1600x128xf32> -> vector<1600x128xf32>
    %swap3A_53 = arith.constant 0 : index
    %swap3A_54 = arith.constant 0 : index
    %swap3A_55 = vector.load %arg9[%swap3A_53, %swap3A_54] : memref<1600x128xf32, #tpu.memory_space<vmem>>, vector<1600x128xf32>
    tpu.vector_store %arg9[%swap3A_53, %swap3A_54], %dot_general3A_52 {strides = array<i32>} : memref<1600x128xf32, #tpu.memory_space<vmem>>, vector<1600x128xf32>,
    %get3A_56 = arith.constant 0 : index
    %get3A_57 = arith.constant 0 : index
    %get3A_58 = vector.load %arg6[%get3A_56, %get3A_57] : memref<128x128xf32, #tpu.memory_space<vmem>>, vector<128x128xf32>
    %dot_general3A_59 = arith.constant dense<0.000000e+00> : vector<1600x128xf32>
    %dot_general3A_60 = tpu.matmul %add3A_37, %get3A_58, %dot_general3A_59 {dimension_numbers = #tpu.dot_dimension_numbers<[1], [0], [0], [1], [0, 0, 1, 1], [], []>, precision = #tpu.contract_precision<fp32>, transpose_lhs_hint = false} : vector<1600x128xf32>, vector<128x128xf32>, vector<1600x128xf32> -> vector<1600x128xf32>
    %swap3A_61 = arith.constant 0 : index
    %swap3A_62 = arith.constant 0 : index
    %swap3A_63 = vector.load %arg10[%swap3A_61, %swap3A_62] : memref<1600x128xf32, #tpu.memory_space<vmem>>, vector<1600x128xf32>
    tpu.vector_store %arg10[%swap3A_61, %swap3A_62], %dot_general3A_60 {strides = array<i32>} : memref<1600x128xf32, #tpu.memory_space<vmem>>, vector<1600x128xf32>,
    return
  }
}

module attributes {stable_mosaic.version = 14 : i64} {
  func.func @_bl_body(%arg0: i32, %arg1: i32, %arg2: memref<1x2000x128xf32, #tpu.memory_space<vmem>>, %arg3: memref<1x2000x128xf32, #tpu.memory_space<vmem>>, %arg4: memref<8x128xf32, #tpu.memory_space<vmem>>, %arg5: memref<1x1x20x128xf32, #tpu.memory_space<vmem>>, %arg6: memref<1x100x128xf32, #tpu.memory_space<vmem>>, %arg7: memref<1x100x128xf32, #tpu.memory_space<vmem>>, %arg8: memref<128x128xf32, #tpu.memory_space<vmem>>, %arg9: memref<2000x20xf32, #tpu.memory_space<vmem>>, %arg10: memref<2000x100xf32, #tpu.memory_space<vmem>>, %arg11: memref<20x2000xf32, #tpu.memory_space<vmem>>, %arg12: memref<1x2000x128xf32, #tpu.memory_space<vmem>>, %arg13: memref<1x2000x128xf32, #tpu.memory_space<vmem>>, %arg14: memref<8x128xf32, #tpu.memory_space<vmem>>, %arg15: memref<1x1x20x128xf32, #tpu.memory_space<vmem>>, %arg16: memref<1x1x20x128xf32, #tpu.memory_space<vmem>>) attributes {dimension_semantics = [#tpu.dimension_semantics<arbitrary>, #tpu.dimension_semantics<arbitrary>], iteration_bounds = array<i64: 16, 5>, scalar_prefetch = 0 : i64, scratch_operands = 0 : i64, tpu.core_type = #tpu.core_type<tc>, window_params = [{transform_indices = @transform_0, window_bounds = array<i64: 1, 2000, 128>}, {transform_indices = @transform_1, window_bounds = array<i64: 1, 2000, 128>}, {pipeline_mode = #tpu.pipeline_mode<synchronous>, transform_indices = @transform_2, window_bounds = array<i64: 8, 128>}, {transform_indices = @transform_3, window_bounds = array<i64: 1, 1, 20, 128>}, {transform_indices = @transform_4, window_bounds = array<i64: 1, 100, 128>}, {transform_indices = @transform_5, window_bounds = array<i64: 1, 100, 128>}, {pipeline_mode = #tpu.pipeline_mode<synchronous>, transform_indices = @transform_6, window_bounds = array<i64: 128, 128>}, {pipeline_mode = #tpu.pipeline_mode<synchronous>, transform_indices = @transform_7, window_bounds = array<i64: 2000, 20>}, {pipeline_mode = #tpu.pipeline_mode<synchronous>, transform_indices = @transform_8, window_bounds = array<i64: 2000, 100>}, {pipeline_mode = #tpu.pipeline_mode<synchronous>, transform_indices = @transform_9, window_bounds = array<i64: 20, 2000>}, {transform_indices = @transform_10, window_bounds = array<i64: 1, 2000, 128>}, {transform_indices = @transform_11, window_bounds = array<i64: 1, 2000, 128>}, {pipeline_mode = #tpu.pipeline_mode<synchronous>, transform_indices = @transform_12, window_bounds = array<i64: 8, 128>}, {transform_indices = @transform_13, window_bounds = array<i64: 1, 1, 20, 128>}, {transform_indices = @transform_14, window_bounds = array<i64: 1, 1, 20, 128>}]} {
    %get3A = arith.constant 0 : index
    %get3A_0 = arith.constant 0 : index
    %get3A_1 = vector.load %arg4[%get3A, %get3A_0] : memref<8x128xf32, #tpu.memory_space<vmem>>, vector<1x128xf32>
    %div3A = arith.constant 1.600000e+05 : f32
    %div3A_2 = vector.broadcast %div3A : f32 to vector<1x128xf32>
    %div3A_3 = arith.divf %get3A_1, %div3A_2 : vector<1x128xf32>
    %get3A_4 = arith.constant 1 : index
    %get3A_5 = arith.constant 0 : index
    %get3A_6 = vector.load %arg4[%get3A_4, %get3A_5] : memref<8x128xf32, #tpu.memory_space<vmem>>, vector<1x128xf32>
    %div3A_7 = arith.constant 1.600000e+05 : f32
    %div3A_8 = vector.broadcast %div3A_7 : f32 to vector<1x128xf32>
    %div3A_9 = arith.divf %get3A_6, %div3A_8 : vector<1x128xf32>
    %mul3A = arith.mulf %div3A_3, %div3A_3 : vector<1x128xf32>
    %sub3A = arith.subf %div3A_9, %mul3A : vector<1x128xf32>
    %add3A = arith.constant 9.99999974E-6 : f32
    %add3A_10 = vector.broadcast %add3A : f32 to vector<1x128xf32>
    %add3A_11 = arith.addf %sub3A, %add3A_10 : vector<1x128xf32>
    %rsqrt3A = math.rsqrt %add3A_11 : vector<1x128xf32>
    %get3A_12 = arith.constant 0 : index
    %get3A_13 = arith.constant 0 : index
    %get3A_14 = arith.constant 0 : index
    %get3A_15 = vector.load %arg2[%get3A_12, %get3A_13, %get3A_14] : memref<1x2000x128xf32, #tpu.memory_space<vmem>>, vector<1x2000x128xf32>
    %get3A_16 = vector.shape_cast %get3A_15 : vector<1x2000x128xf32> to vector<2000x128xf32>
    %get3A_17 = arith.constant 0 : index
    %get3A_18 = arith.constant 0 : index
    %get3A_19 = arith.constant 0 : index
    %get3A_20 = vector.load %arg3[%get3A_17, %get3A_18, %get3A_19] : memref<1x2000x128xf32, #tpu.memory_space<vmem>>, vector<1x2000x128xf32>
    %get3A_21 = vector.shape_cast %get3A_20 : vector<1x2000x128xf32> to vector<2000x128xf32>
    %sub3A_22 = vector.broadcast %div3A_3 : vector<1x128xf32> to vector<2000x128xf32>
    %sub3A_23 = arith.subf %get3A_21, %sub3A_22 : vector<2000x128xf32>
    %mul3A_24 = vector.broadcast %rsqrt3A : vector<1x128xf32> to vector<2000x128xf32>
    %mul3A_25 = arith.mulf %sub3A_23, %mul3A_24 : vector<2000x128xf32>
    %max3A = arith.constant 0.000000e+00 : f32
    %max3A_26 = vector.broadcast %max3A : f32 to vector<2000x128xf32>
    %max3A_27 = arith.maximumf %mul3A_25, %max3A_26 : vector<2000x128xf32>
    %add3A_28 = arith.addf %get3A_16, %max3A_27 : vector<2000x128xf32>
    %get3A_29 = arith.constant 0 : index
    %get3A_30 = arith.constant 0 : index
    %get3A_31 = vector.load %arg8[%get3A_29, %get3A_30] : memref<128x128xf32, #tpu.memory_space<vmem>>, vector<128x128xf32>
    %dot_general3A = arith.constant dense<0.000000e+00> : vector<2000x128xf32>
    %dot_general3A_32 = tpu.matmul %add3A_28, %get3A_31, %dot_general3A {dimension_numbers = #tpu.dot_dimension_numbers<[1], [0], [0], [1], [0, 0, 1, 1], [], []>, precision = #tpu.contract_precision<fp32>, transpose_lhs_hint = false} : vector<2000x128xf32>, vector<128x128xf32>, vector<2000x128xf32> -> vector<2000x128xf32>
    %get3A_33 = arith.constant 0 : index
    %get3A_34 = arith.constant 0 : index
    %get3A_35 = vector.load %arg9[%get3A_33, %get3A_34] : memref<2000x20xf32, #tpu.memory_space<vmem>>, vector<2000x20xf32>
    %get3A_36 = arith.constant 0 : index
    %get3A_37 = arith.constant 0 : index
    %get3A_38 = arith.constant 0 : index
    %get3A_39 = arith.constant 0 : index
    %get3A_40 = vector.load %arg5[%get3A_36, %get3A_37, %get3A_38, %get3A_39] : memref<1x1x20x128xf32, #tpu.memory_space<vmem>>, vector<1x1x20x128xf32>
    %get3A_41 = vector.shape_cast %get3A_40 : vector<1x1x20x128xf32> to vector<20x128xf32>
    %dot_general3A_42 = arith.constant dense<0.000000e+00> : vector<2000x128xf32>
    %dot_general3A_43 = tpu.matmul %get3A_35, %get3A_41, %dot_general3A_42 {dimension_numbers = #tpu.dot_dimension_numbers<[1], [0], [0], [1], [0, 0, 1, 1], [], []>, precision = #tpu.contract_precision<fp32>, transpose_lhs_hint = false} : vector<2000x20xf32>, vector<20x128xf32>, vector<2000x128xf32> -> vector<2000x128xf32>
    %add3A_44 = arith.addf %dot_general3A_32, %dot_general3A_43 : vector<2000x128xf32>
    %get3A_45 = arith.constant 0 : index
    %get3A_46 = arith.constant 0 : index
    %get3A_47 = vector.load %arg10[%get3A_45, %get3A_46] : memref<2000x100xf32, #tpu.memory_space<vmem>>, vector<2000x100xf32>
    %get3A_48 = arith.constant 0 : index
    %get3A_49 = arith.constant 0 : index
    %get3A_50 = arith.constant 0 : index
    %get3A_51 = vector.load %arg6[%get3A_48, %get3A_49, %get3A_50] : memref<1x100x128xf32, #tpu.memory_space<vmem>>, vector<1x100x128xf32>
    %get3A_52 = vector.shape_cast %get3A_51 : vector<1x100x128xf32> to vector<100x128xf32>
    %dot_general3A_53 = arith.constant dense<0.000000e+00> : vector<2000x128xf32>
    %dot_general3A_54 = tpu.matmul %get3A_47, %get3A_52, %dot_general3A_53 {dimension_numbers = #tpu.dot_dimension_numbers<[1], [0], [0], [1], [0, 0, 1, 1], [], []>, precision = #tpu.contract_precision<fp32>, transpose_lhs_hint = false} : vector<2000x100xf32>, vector<100x128xf32>, vector<2000x128xf32> -> vector<2000x128xf32>
    %add3A_55 = arith.addf %add3A_44, %dot_general3A_54 : vector<2000x128xf32>
    %swap3A = arith.constant 0 : index
    %swap3A_56 = arith.constant 0 : index
    %swap3A_57 = arith.constant 0 : index
    %swap3A_58 = vector.load %arg12[%swap3A, %swap3A_56, %swap3A_57] : memref<1x2000x128xf32, #tpu.memory_space<vmem>>, vector<1x2000x128xf32>
    %swap3A_59 = vector.shape_cast %swap3A_58 : vector<1x2000x128xf32> to vector<2000x128xf32>
    %swap3A_60 = vector.shape_cast %add3A_28 : vector<2000x128xf32> to vector<1x2000x128xf32>
    tpu.vector_store %arg12[%swap3A, %swap3A_56, %swap3A_57], %swap3A_60 {strides = array<i32>} : memref<1x2000x128xf32, #tpu.memory_space<vmem>>, vector<1x2000x128xf32>,
    %swap3A_61 = arith.constant 0 : index
    %swap3A_62 = arith.constant 0 : index
    %swap3A_63 = arith.constant 0 : index
    %swap3A_64 = vector.load %arg13[%swap3A_61, %swap3A_62, %swap3A_63] : memref<1x2000x128xf32, #tpu.memory_space<vmem>>, vector<1x2000x128xf32>
    %swap3A_65 = vector.shape_cast %swap3A_64 : vector<1x2000x128xf32> to vector<2000x128xf32>
    %swap3A_66 = vector.shape_cast %add3A_55 : vector<2000x128xf32> to vector<1x2000x128xf32>
    tpu.vector_store %arg13[%swap3A_61, %swap3A_62, %swap3A_63], %swap3A_66 {strides = array<i32>} : memref<1x2000x128xf32, #tpu.memory_space<vmem>>, vector<1x2000x128xf32>,
    %logistic3A = arith.negf %add3A_55 : vector<2000x128xf32>
    %logistic3A_67 = math.exp %logistic3A : vector<2000x128xf32>
    %logistic3A_68 = arith.constant 1.000000e+00 : f32
    %logistic3A_69 = vector.broadcast %logistic3A_68 : f32 to vector<2000x128xf32>
    %logistic3A_70 = arith.addf %logistic3A_69, %logistic3A_67 : vector<2000x128xf32>
    %logistic3A_71 = arith.divf %logistic3A_69, %logistic3A_70 : vector<2000x128xf32>
    %get3A_72 = arith.constant 0 : index
    %get3A_73 = arith.constant 0 : index
    %get3A_74 = vector.load %arg11[%get3A_72, %get3A_73] : memref<20x2000xf32, #tpu.memory_space<vmem>>, vector<20x2000xf32>
    %dot_general3A_75 = arith.constant dense<0.000000e+00> : vector<20x128xf32>
    %dot_general3A_76 = tpu.matmul %get3A_74, %logistic3A_71, %dot_general3A_75 {dimension_numbers = #tpu.dot_dimension_numbers<[1], [0], [0], [1], [0, 0, 1, 1], [], []>, precision = #tpu.contract_precision<fp32>, transpose_lhs_hint = false} : vector<20x2000xf32>, vector<2000x128xf32>, vector<20x128xf32> -> vector<20x128xf32>
    %swap3A_77 = arith.constant 0 : index
    %swap3A_78 = arith.constant 0 : index
    %swap3A_79 = arith.constant 0 : index
    %swap3A_80 = arith.constant 0 : index
    %swap3A_81 = vector.load %arg15[%swap3A_77, %swap3A_78, %swap3A_79, %swap3A_80] : memref<1x1x20x128xf32, #tpu.memory_space<vmem>>, vector<1x1x20x128xf32>
    %swap3A_82 = vector.shape_cast %swap3A_81 : vector<1x1x20x128xf32> to vector<20x128xf32>
    %swap3A_83 = vector.shape_cast %dot_general3A_76 : vector<20x128xf32> to vector<1x1x20x128xf32>
    tpu.vector_store %arg15[%swap3A_77, %swap3A_78, %swap3A_79, %swap3A_80], %swap3A_83 {strides = array<i32>} : memref<1x1x20x128xf32, #tpu.memory_space<vmem>>, vector<1x1x20x128xf32>,
    %get3A_84 = arith.constant 0 : index
    %get3A_85 = arith.constant 0 : index
    %get3A_86 = vector.load %arg10[%get3A_84, %get3A_85] : memref<2000x100xf32, #tpu.memory_space<vmem>>, vector<2000x100xf32>
    %get3A_87 = arith.constant 0 : index
    %get3A_88 = arith.constant 0 : index
    %get3A_89 = arith.constant 0 : index
    %get3A_90 = vector.load %arg7[%get3A_87, %get3A_88, %get3A_89] : memref<1x100x128xf32, #tpu.memory_space<vmem>>, vector<1x100x128xf32>
    %get3A_91 = vector.shape_cast %get3A_90 : vector<1x100x128xf32> to vector<100x128xf32>
    %dot_general3A_92 = arith.constant dense<0.000000e+00> : vector<2000x128xf32>
    %dot_general3A_93 = tpu.matmul %get3A_86, %get3A_91, %dot_general3A_92 {dimension_numbers = #tpu.dot_dimension_numbers<[1], [0], [0], [1], [0, 0, 1, 1], [], []>, precision = #tpu.contract_precision<fp32>, transpose_lhs_hint = false} : vector<2000x100xf32>, vector<100x128xf32>, vector<2000x128xf32> -> vector<2000x128xf32>
    %get3A_94 = arith.constant 0 : index
    %get3A_95 = arith.constant 0 : index
    %get3A_96 = vector.load %arg11[%get3A_94, %get3A_95] : memref<20x2000xf32, #tpu.memory_space<vmem>>, vector<20x2000xf32>
    %mul3A_97 = arith.mulf %logistic3A_71, %dot_general3A_93 : vector<2000x128xf32>
    %dot_general3A_98 = arith.constant dense<0.000000e+00> : vector<20x128xf32>
    %dot_general3A_99 = tpu.matmul %get3A_96, %mul3A_97, %dot_general3A_98 {dimension_numbers = #tpu.dot_dimension_numbers<[1], [0], [0], [1], [0, 0, 1, 1], [], []>, precision = #tpu.contract_precision<fp32>, transpose_lhs_hint = false} : vector<20x2000xf32>, vector<2000x128xf32>, vector<20x128xf32> -> vector<20x128xf32>
    %swap3A_100 = arith.constant 0 : index
    %swap3A_101 = arith.constant 0 : index
    %swap3A_102 = arith.constant 0 : index
    %swap3A_103 = arith.constant 0 : index
    %swap3A_104 = vector.load %arg16[%swap3A_100, %swap3A_101, %swap3A_102, %swap3A_103] : memref<1x1x20x128xf32, #tpu.memory_space<vmem>>, vector<1x1x20x128xf32>
    %swap3A_105 = vector.shape_cast %swap3A_104 : vector<1x1x20x128xf32> to vector<20x128xf32>
    %swap3A_106 = vector.shape_cast %dot_general3A_99 : vector<20x128xf32> to vector<1x1x20x128xf32>
    tpu.vector_store %arg16[%swap3A_100, %swap3A_101, %swap3A_102, %swap3A_103], %swap3A_106 {strides = array<i32>} : memref<1x1x20x128xf32, #tpu.memory_space<vmem>>, vector<1x1x20x128xf32>,
    %eq3A = arith.constant 0 : i32
    %eq3A_107 = arith.cmpi eq, %arg0, %eq3A : i32
    %eq3A_108 = arith.constant 0 : i32
    %eq3A_109 = arith.cmpi eq, %arg1, %eq3A_108 : i32
    %and3A = arith.andi %eq3A_107, %eq3A_109 : i1
    %convert_element_type3A = arith.extui %and3A : i1 to i32
    %cond3A = arith.constant 0 : i32
    %cond3A_110 = arith.cmpi ne, %convert_element_type3A, %cond3A : i32
    scf.if %cond3A_110 {
      %broadcast_in_dim3A_130 = arith.constant 0.000000e+00 : f32
      %broadcast_in_dim3A_131 = vector.broadcast %broadcast_in_dim3A_130 : f32 to vector<8x128xf32>
      %swap3A_132 = arith.constant 0 : index
      %swap3A_133 = arith.constant 0 : index
      %swap3A_134 = vector.load %arg14[%swap3A_132, %swap3A_133] : memref<8x128xf32, #tpu.memory_space<vmem>>, vector<8x128xf32>
      tpu.vector_store %arg14[%swap3A_132, %swap3A_133], %broadcast_in_dim3A_131 {strides = array<i32>} : memref<8x128xf32, #tpu.memory_space<vmem>>, vector<8x128xf32>,
    } else {
    }
    %get3A_111 = arith.constant 0 : index
    %get3A_112 = arith.constant 0 : index
    %get3A_113 = vector.load %arg14[%get3A_111, %get3A_112] : memref<8x128xf32, #tpu.memory_space<vmem>>, vector<1x128xf32>
    %reduce_sum3A = arith.constant dense<0.000000e+00> : vector<128xf32>
    %reduce_sum3A_114 = vector.multi_reduction <add>, %add3A_55, %reduce_sum3A [0] : vector<2000x128xf32> to vector<128xf32>
    %broadcast_in_dim3A = vector.shape_cast %reduce_sum3A_114 : vector<128xf32> to vector<1x128xf32>
    %add3A_115 = arith.addf %get3A_113, %broadcast_in_dim3A : vector<1x128xf32>
    %swap3A_116 = arith.constant 0 : index
    %swap3A_117 = arith.constant 0 : index
    %swap3A_118 = vector.load %arg14[%swap3A_116, %swap3A_117] : memref<8x128xf32, #tpu.memory_space<vmem>>, vector<1x128xf32>
    tpu.vector_store %arg14[%swap3A_116, %swap3A_117], %add3A_115 {strides = array<i32>} : memref<8x128xf32, #tpu.memory_space<vmem>>, vector<1x128xf32>,
    %get3A_119 = arith.constant 1 : index
    %get3A_120 = arith.constant 0 : index
    %get3A_121 = vector.load %arg14[%get3A_119, %get3A_120] : memref<8x128xf32, #tpu.memory_space<vmem>>, vector<1x128xf32>
    %mul3A_122 = arith.mulf %add3A_55, %add3A_55 : vector<2000x128xf32>
    %reduce_sum3A_123 = arith.constant dense<0.000000e+00> : vector<128xf32>
    %reduce_sum3A_124 = vector.multi_reduction <add>, %mul3A_122, %reduce_sum3A_123 [0] : vector<2000x128xf32> to vector<128xf32>
    %broadcast_in_dim3A_125 = vector.shape_cast %reduce_sum3A_124 : vector<128xf32> to vector<1x128xf32>
    %add3A_126 = arith.addf %get3A_121, %broadcast_in_dim3A_125 : vector<1x128xf32>
    %swap3A_127 = arith.constant 1 : index
    %swap3A_128 = arith.constant 0 : index
    %swap3A_129 = vector.load %arg14[%swap3A_127, %swap3A_128] : memref<8x128xf32, #tpu.memory_space<vmem>>, vector<1x128xf32>
    tpu.vector_store %arg14[%swap3A_127, %swap3A_128], %add3A_126 {strides = array<i32>} : memref<8x128xf32, #tpu.memory_space<vmem>>, vector<1x128xf32>,
    return
  }
  func.func @transform_0(%arg0: i32, %arg1: i32) -> (i32, i32, i32) {
    %c0_i32 = arith.constant 0 : i32
    %c0_i32_0 = arith.constant 0 : i32
    return %arg0, %arg1, %c0_i32 : i32, i32, i32
  }
  func.func @transform_1(%arg0: i32, %arg1: i32) -> (i32, i32, i32) {
    %c0_i32 = arith.constant 0 : i32
    %c0_i32_0 = arith.constant 0 : i32
    return %arg0, %arg1, %c0_i32 : i32, i32, i32
  }
  func.func @transform_2(%arg0: i32, %arg1: i32) -> (i32, i32) {
    %c0_i32 = arith.constant 0 : i32
    %c0_i32_0 = arith.constant 0 : i32
    %c0_i32_1 = arith.constant 0 : i32
    return %c0_i32, %c0_i32_0 : i32, i32
  }
  func.func @transform_3(%arg0: i32, %arg1: i32) -> (i32, i32, i32, i32) {
    %c0_i32 = arith.constant 0 : i32
    %c0_i32_0 = arith.constant 0 : i32
    %c0_i32_1 = arith.constant 0 : i32
    return %arg0, %arg1, %c0_i32, %c0_i32_0 : i32, i32, i32, i32
  }
  func.func @transform_4(%arg0: i32, %arg1: i32) -> (i32, i32, i32) {
    %c0_i32 = arith.constant 0 : i32
    %c0_i32_0 = arith.constant 0 : i32
    %c0_i32_1 = arith.constant 0 : i32
    return %arg0, %c0_i32, %c0_i32_0 : i32, i32, i32
  }
  func.func @transform_5(%arg0: i32, %arg1: i32) -> (i32, i32, i32) {
    %c0_i32 = arith.constant 0 : i32
    %c0_i32_0 = arith.constant 0 : i32
    %c0_i32_1 = arith.constant 0 : i32
    return %arg0, %c0_i32, %c0_i32_0 : i32, i32, i32
  }
  func.func @transform_6(%arg0: i32, %arg1: i32) -> (i32, i32) {
    %c0_i32 = arith.constant 0 : i32
    %c0_i32_0 = arith.constant 0 : i32
    %c0_i32_1 = arith.constant 0 : i32
    return %c0_i32, %c0_i32_0 : i32, i32
  }
  func.func @transform_7(%arg0: i32, %arg1: i32) -> (i32, i32) {
    %c0_i32 = arith.constant 0 : i32
    %c0_i32_0 = arith.constant 0 : i32
    %c0_i32_1 = arith.constant 0 : i32
    return %c0_i32, %c0_i32_0 : i32, i32
  }
  func.func @transform_8(%arg0: i32, %arg1: i32) -> (i32, i32) {
    %c0_i32 = arith.constant 0 : i32
    %c0_i32_0 = arith.constant 0 : i32
    %c0_i32_1 = arith.constant 0 : i32
    return %c0_i32, %c0_i32_0 : i32, i32
  }
  func.func @transform_9(%arg0: i32, %arg1: i32) -> (i32, i32) {
    %c0_i32 = arith.constant 0 : i32
    %c0_i32_0 = arith.constant 0 : i32
    %c0_i32_1 = arith.constant 0 : i32
    return %c0_i32, %c0_i32_0 : i32, i32
  }
  func.func @transform_10(%arg0: i32, %arg1: i32) -> (i32, i32, i32) {
    %c0_i32 = arith.constant 0 : i32
    %c0_i32_0 = arith.constant 0 : i32
    return %arg0, %arg1, %c0_i32 : i32, i32, i32
  }
  func.func @transform_11(%arg0: i32, %arg1: i32) -> (i32, i32, i32) {
    %c0_i32 = arith.constant 0 : i32
    %c0_i32_0 = arith.constant 0 : i32
    return %arg0, %arg1, %c0_i32 : i32, i32, i32
  }
  func.func @transform_12(%arg0: i32, %arg1: i32) -> (i32, i32) {
    %c0_i32 = arith.constant 0 : i32
    %c0_i32_0 = arith.constant 0 : i32
    %c0_i32_1 = arith.constant 0 : i32
    return %c0_i32, %c0_i32_0 : i32, i32
  }
  func.func @transform_13(%arg0: i32, %arg1: i32) -> (i32, i32, i32, i32) {
    %c0_i32 = arith.constant 0 : i32
    %c0_i32_0 = arith.constant 0 : i32
    %c0_i32_1 = arith.constant 0 : i32
    return %arg0, %arg1, %c0_i32, %c0_i32_0 : i32, i32, i32, i32
  }
  func.func @transform_14(%arg0: i32, %arg1: i32) -> (i32, i32, i32, i32) {
    %c0_i32 = arith.constant 0 : i32
    %c0_i32_0 = arith.constant 0 : i32
    %c0_i32_1 = arith.constant 0 : i32
    return %arg0, %arg1, %c0_i32, %c0_i32_0 : i32, i32, i32, i32
  }
}

module attributes {stable_mosaic.version = 14 : i64} {
  func.func @_sl_body(%arg0: memref<1600x128xf32, #tpu.memory_space<vmem>>, %arg1: memref<1600x128xf32, #tpu.memory_space<vmem>>, %arg2: memref<1600x128xf32, #tpu.memory_space<vmem>>, %arg3: memref<128x128xf32, #tpu.memory_space<vmem>>, %arg4: memref<128x128xf32, #tpu.memory_space<vmem>>, %arg5: memref<128x128xf32, #tpu.memory_space<vmem>>, %arg6: memref<128x128xf32, #tpu.memory_space<vmem>>, %arg7: memref<1600x128xf32, #tpu.memory_space<vmem>>, %arg8: memref<1600x128xf32, #tpu.memory_space<vmem>>, %arg9: memref<1600x128xf32, #tpu.memory_space<vmem>>, %arg10: memref<1600x128xf32, #tpu.memory_space<vmem>>) attributes {dimension_semantics = [], scalar_prefetch = 0 : i64, scratch_operands = 0 : i64, tpu.core_type = #tpu.core_type<tc>} {
    %get3A = arith.constant 0 : index
    %get3A_0 = arith.constant 0 : index
    %get3A_1 = vector.load %arg0[%get3A, %get3A_0] : memref<1600x128xf32, #tpu.memory_space<vmem>>, vector<1600x128xf32>
    %get3A_2 = arith.constant 0 : index
    %get3A_3 = arith.constant 0 : index
    %get3A_4 = vector.load %arg3[%get3A_2, %get3A_3] : memref<128x128xf32, #tpu.memory_space<vmem>>, vector<128x128xf32>
    %dot_general3A = arith.constant dense<0.000000e+00> : vector<1600x128xf32>
    %dot_general3A_5 = tpu.matmul %get3A_1, %get3A_4, %dot_general3A {dimension_numbers = #tpu.dot_dimension_numbers<[1], [0], [0], [1], [0, 0, 1, 1], [], []>, precision = #tpu.contract_precision<fp32>, transpose_lhs_hint = false} : vector<1600x128xf32>, vector<128x128xf32>, vector<1600x128xf32> -> vector<1600x128xf32>
    %get3A_6 = arith.constant 0 : index
    %get3A_7 = arith.constant 0 : index
    %get3A_8 = vector.load %arg1[%get3A_6, %get3A_7] : memref<1600x128xf32, #tpu.memory_space<vmem>>, vector<1600x128xf32>
    %get3A_9 = arith.constant 0 : index
    %get3A_10 = arith.constant 0 : index
    %get3A_11 = vector.load %arg2[%get3A_9, %get3A_10] : memref<1600x128xf32, #tpu.memory_space<vmem>>, vector<1600x128xf32>
    %add3A = arith.constant 9.99999968E-21 : f32
    %add3A_12 = vector.broadcast %add3A : f32 to vector<1600x128xf32>
    %add3A_13 = arith.addf %get3A_11, %add3A_12 : vector<1600x128xf32>
    %div3A = arith.divf %get3A_8, %add3A_13 : vector<1600x128xf32>
    %add3A_14 = arith.addf %dot_general3A_5, %div3A : vector<1600x128xf32>
    %reduce_sum3A = arith.constant dense<0.000000e+00> : vector<128xf32>
    %reduce_sum3A_15 = vector.multi_reduction <add>, %add3A_14, %reduce_sum3A [0] : vector<1600x128xf32> to vector<128xf32>
    %broadcast_in_dim3A = vector.shape_cast %reduce_sum3A_15 : vector<128xf32> to vector<1x128xf32>
    %div3A_16 = arith.constant 1.600000e+03 : f32
    %div3A_17 = vector.broadcast %div3A_16 : f32 to vector<1x128xf32>
    %div3A_18 = arith.divf %broadcast_in_dim3A, %div3A_17 : vector<1x128xf32>
    %sub3A = vector.broadcast %div3A_18 : vector<1x128xf32> to vector<1600x128xf32>
    %sub3A_19 = arith.subf %add3A_14, %sub3A : vector<1600x128xf32>
    %sub3A_20 = vector.broadcast %div3A_18 : vector<1x128xf32> to vector<1600x128xf32>
    %sub3A_21 = arith.subf %add3A_14, %sub3A_20 : vector<1600x128xf32>
    %mul3A = arith.mulf %sub3A_19, %sub3A_21 : vector<1600x128xf32>
    %reduce_sum3A_22 = arith.constant dense<0.000000e+00> : vector<128xf32>
    %reduce_sum3A_23 = vector.multi_reduction <add>, %mul3A, %reduce_sum3A_22 [0] : vector<1600x128xf32> to vector<128xf32>
    %broadcast_in_dim3A_24 = vector.shape_cast %reduce_sum3A_23 : vector<128xf32> to vector<1x128xf32>
    %div3A_25 = arith.constant 1.600000e+03 : f32
    %div3A_26 = vector.broadcast %div3A_25 : f32 to vector<1x128xf32>
    %div3A_27 = arith.divf %broadcast_in_dim3A_24, %div3A_26 : vector<1x128xf32>
    %sub3A_28 = vector.broadcast %div3A_18 : vector<1x128xf32> to vector<1600x128xf32>
    %sub3A_29 = arith.subf %add3A_14, %sub3A_28 : vector<1600x128xf32>
    %add3A_30 = arith.constant 9.99999974E-6 : f32
    %add3A_31 = vector.broadcast %add3A_30 : f32 to vector<1x128xf32>
    %add3A_32 = arith.addf %div3A_27, %add3A_31 : vector<1x128xf32>
    %rsqrt3A = math.rsqrt %add3A_32 : vector<1x128xf32>
    %mul3A_33 = vector.broadcast %rsqrt3A : vector<1x128xf32> to vector<1600x128xf32>
    %mul3A_34 = arith.mulf %sub3A_29, %mul3A_33 : vector<1600x128xf32>
    %max3A = arith.constant 0.000000e+00 : f32
    %max3A_35 = vector.broadcast %max3A : f32 to vector<1600x128xf32>
    %max3A_36 = arith.maximumf %mul3A_34, %max3A_35 : vector<1600x128xf32>
    %add3A_37 = arith.addf %get3A_1, %max3A_36 : vector<1600x128xf32>
    %swap3A = arith.constant 0 : index
    %swap3A_38 = arith.constant 0 : index
    %swap3A_39 = vector.load %arg7[%swap3A, %swap3A_38] : memref<1600x128xf32, #tpu.memory_space<vmem>>, vector<1600x128xf32>
    tpu.vector_store %arg7[%swap3A, %swap3A_38], %add3A_37 {strides = array<i32>} : memref<1600x128xf32, #tpu.memory_space<vmem>>, vector<1600x128xf32>,
    %get3A_40 = arith.constant 0 : index
    %get3A_41 = arith.constant 0 : index
    %get3A_42 = vector.load %arg4[%get3A_40, %get3A_41] : memref<128x128xf32, #tpu.memory_space<vmem>>, vector<128x128xf32>
    %dot_general3A_43 = arith.constant dense<0.000000e+00> : vector<1600x128xf32>
    %dot_general3A_44 = tpu.matmul %add3A_37, %get3A_42, %dot_general3A_43 {dimension_numbers = #tpu.dot_dimension_numbers<[1], [0], [0], [1], [0, 0, 1, 1], [], []>, precision = #tpu.contract_precision<fp32>, transpose_lhs_hint = false} : vector<1600x128xf32>, vector<128x128xf32>, vector<1600x128xf32> -> vector<1600x128xf32>
    %swap3A_45 = arith.constant 0 : index
    %swap3A_46 = arith.constant 0 : index
    %swap3A_47 = vector.load %arg8[%swap3A_45, %swap3A_46] : memref<1600x128xf32, #tpu.memory_space<vmem>>, vector<1600x128xf32>
    tpu.vector_store %arg8[%swap3A_45, %swap3A_46], %dot_general3A_44 {strides = array<i32>} : memref<1600x128xf32, #tpu.memory_space<vmem>>, vector<1600x128xf32>,
    %get3A_48 = arith.constant 0 : index
    %get3A_49 = arith.constant 0 : index
    %get3A_50 = vector.load %arg5[%get3A_48, %get3A_49] : memref<128x128xf32, #tpu.memory_space<vmem>>, vector<128x128xf32>
    %dot_general3A_51 = arith.constant dense<0.000000e+00> : vector<1600x128xf32>
    %dot_general3A_52 = tpu.matmul %add3A_37, %get3A_50, %dot_general3A_51 {dimension_numbers = #tpu.dot_dimension_numbers<[1], [0], [0], [1], [0, 0, 1, 1], [], []>, precision = #tpu.contract_precision<fp32>, transpose_lhs_hint = false} : vector<1600x128xf32>, vector<128x128xf32>, vector<1600x128xf32> -> vector<1600x128xf32>
    %swap3A_53 = arith.constant 0 : index
    %swap3A_54 = arith.constant 0 : index
    %swap3A_55 = vector.load %arg9[%swap3A_53, %swap3A_54] : memref<1600x128xf32, #tpu.memory_space<vmem>>, vector<1600x128xf32>
    tpu.vector_store %arg9[%swap3A_53, %swap3A_54], %dot_general3A_52 {strides = array<i32>} : memref<1600x128xf32, #tpu.memory_space<vmem>>, vector<1600x128xf32>,
    %get3A_56 = arith.constant 0 : index
    %get3A_57 = arith.constant 0 : index
    %get3A_58 = vector.load %arg6[%get3A_56, %get3A_57] : memref<128x128xf32, #tpu.memory_space<vmem>>, vector<128x128xf32>
    %dot_general3A_59 = arith.constant dense<0.000000e+00> : vector<1600x128xf32>
    %dot_general3A_60 = tpu.matmul %add3A_37, %get3A_58, %dot_general3A_59 {dimension_numbers = #tpu.dot_dimension_numbers<[1], [0], [0], [1], [0, 0, 1, 1], [], []>, precision = #tpu.contract_precision<fp32>, transpose_lhs_hint = false} : vector<1600x128xf32>, vector<128x128xf32>, vector<1600x128xf32> -> vector<1600x128xf32>
    %swap3A_61 = arith.constant 0 : index
    %swap3A_62 = arith.constant 0 : index
    %swap3A_63 = vector.load %arg10[%swap3A_61, %swap3A_62] : memref<1600x128xf32, #tpu.memory_space<vmem>>, vector<1600x128xf32>
    tpu.vector_store %arg10[%swap3A_61, %swap3A_62], %dot_general3A_60 {strides = array<i32>} : memref<1600x128xf32, #tpu.memory_space<vmem>>, vector<1600x128xf32>,
    return
  }
}

module attributes {stable_mosaic.version = 14 : i64} {
  func.func @_bl_body(%arg0: i32, %arg1: i32, %arg2: memref<1x2000x128xf32, #tpu.memory_space<vmem>>, %arg3: memref<1x2000x128xf32, #tpu.memory_space<vmem>>, %arg4: memref<8x128xf32, #tpu.memory_space<vmem>>, %arg5: memref<1x1x20x128xf32, #tpu.memory_space<vmem>>, %arg6: memref<1x100x128xf32, #tpu.memory_space<vmem>>, %arg7: memref<1x100x128xf32, #tpu.memory_space<vmem>>, %arg8: memref<128x128xf32, #tpu.memory_space<vmem>>, %arg9: memref<2000x20xf32, #tpu.memory_space<vmem>>, %arg10: memref<2000x100xf32, #tpu.memory_space<vmem>>, %arg11: memref<20x2000xf32, #tpu.memory_space<vmem>>, %arg12: memref<1x2000x128xf32, #tpu.memory_space<vmem>>, %arg13: memref<1x2000x128xf32, #tpu.memory_space<vmem>>, %arg14: memref<8x128xf32, #tpu.memory_space<vmem>>, %arg15: memref<1x1x20x128xf32, #tpu.memory_space<vmem>>, %arg16: memref<1x1x20x128xf32, #tpu.memory_space<vmem>>) attributes {dimension_semantics = [#tpu.dimension_semantics<arbitrary>, #tpu.dimension_semantics<arbitrary>], iteration_bounds = array<i64: 16, 5>, scalar_prefetch = 0 : i64, scratch_operands = 0 : i64, tpu.core_type = #tpu.core_type<tc>, window_params = [{transform_indices = @transform_0, window_bounds = array<i64: 1, 2000, 128>}, {transform_indices = @transform_1, window_bounds = array<i64: 1, 2000, 128>}, {pipeline_mode = #tpu.pipeline_mode<synchronous>, transform_indices = @transform_2, window_bounds = array<i64: 8, 128>}, {transform_indices = @transform_3, window_bounds = array<i64: 1, 1, 20, 128>}, {transform_indices = @transform_4, window_bounds = array<i64: 1, 100, 128>}, {transform_indices = @transform_5, window_bounds = array<i64: 1, 100, 128>}, {pipeline_mode = #tpu.pipeline_mode<synchronous>, transform_indices = @transform_6, window_bounds = array<i64: 128, 128>}, {pipeline_mode = #tpu.pipeline_mode<synchronous>, transform_indices = @transform_7, window_bounds = array<i64: 2000, 20>}, {pipeline_mode = #tpu.pipeline_mode<synchronous>, transform_indices = @transform_8, window_bounds = array<i64: 2000, 100>}, {pipeline_mode = #tpu.pipeline_mode<synchronous>, transform_indices = @transform_9, window_bounds = array<i64: 20, 2000>}, {transform_indices = @transform_10, window_bounds = array<i64: 1, 2000, 128>}, {transform_indices = @transform_11, window_bounds = array<i64: 1, 2000, 128>}, {pipeline_mode = #tpu.pipeline_mode<synchronous>, transform_indices = @transform_12, window_bounds = array<i64: 8, 128>}, {transform_indices = @transform_13, window_bounds = array<i64: 1, 1, 20, 128>}, {transform_indices = @transform_14, window_bounds = array<i64: 1, 1, 20, 128>}]} {
    %get3A = arith.constant 0 : index
    %get3A_0 = arith.constant 0 : index
    %get3A_1 = vector.load %arg4[%get3A, %get3A_0] : memref<8x128xf32, #tpu.memory_space<vmem>>, vector<1x128xf32>
    %div3A = arith.constant 1.600000e+05 : f32
    %div3A_2 = vector.broadcast %div3A : f32 to vector<1x128xf32>
    %div3A_3 = arith.divf %get3A_1, %div3A_2 : vector<1x128xf32>
    %get3A_4 = arith.constant 1 : index
    %get3A_5 = arith.constant 0 : index
    %get3A_6 = vector.load %arg4[%get3A_4, %get3A_5] : memref<8x128xf32, #tpu.memory_space<vmem>>, vector<1x128xf32>
    %div3A_7 = arith.constant 1.600000e+05 : f32
    %div3A_8 = vector.broadcast %div3A_7 : f32 to vector<1x128xf32>
    %div3A_9 = arith.divf %get3A_6, %div3A_8 : vector<1x128xf32>
    %mul3A = arith.mulf %div3A_3, %div3A_3 : vector<1x128xf32>
    %sub3A = arith.subf %div3A_9, %mul3A : vector<1x128xf32>
    %add3A = arith.constant 9.99999974E-6 : f32
    %add3A_10 = vector.broadcast %add3A : f32 to vector<1x128xf32>
    %add3A_11 = arith.addf %sub3A, %add3A_10 : vector<1x128xf32>
    %rsqrt3A = math.rsqrt %add3A_11 : vector<1x128xf32>
    %get3A_12 = arith.constant 0 : index
    %get3A_13 = arith.constant 0 : index
    %get3A_14 = arith.constant 0 : index
    %get3A_15 = vector.load %arg2[%get3A_12, %get3A_13, %get3A_14] : memref<1x2000x128xf32, #tpu.memory_space<vmem>>, vector<1x2000x128xf32>
    %get3A_16 = vector.shape_cast %get3A_15 : vector<1x2000x128xf32> to vector<2000x128xf32>
    %get3A_17 = arith.constant 0 : index
    %get3A_18 = arith.constant 0 : index
    %get3A_19 = arith.constant 0 : index
    %get3A_20 = vector.load %arg3[%get3A_17, %get3A_18, %get3A_19] : memref<1x2000x128xf32, #tpu.memory_space<vmem>>, vector<1x2000x128xf32>
    %get3A_21 = vector.shape_cast %get3A_20 : vector<1x2000x128xf32> to vector<2000x128xf32>
    %sub3A_22 = vector.broadcast %div3A_3 : vector<1x128xf32> to vector<2000x128xf32>
    %sub3A_23 = arith.subf %get3A_21, %sub3A_22 : vector<2000x128xf32>
    %mul3A_24 = vector.broadcast %rsqrt3A : vector<1x128xf32> to vector<2000x128xf32>
    %mul3A_25 = arith.mulf %sub3A_23, %mul3A_24 : vector<2000x128xf32>
    %max3A = arith.constant 0.000000e+00 : f32
    %max3A_26 = vector.broadcast %max3A : f32 to vector<2000x128xf32>
    %max3A_27 = arith.maximumf %mul3A_25, %max3A_26 : vector<2000x128xf32>
    %add3A_28 = arith.addf %get3A_16, %max3A_27 : vector<2000x128xf32>
    %get3A_29 = arith.constant 0 : index
    %get3A_30 = arith.constant 0 : index
    %get3A_31 = vector.load %arg8[%get3A_29, %get3A_30] : memref<128x128xf32, #tpu.memory_space<vmem>>, vector<128x128xf32>
    %dot_general3A = arith.constant dense<0.000000e+00> : vector<2000x128xf32>
    %dot_general3A_32 = tpu.matmul %add3A_28, %get3A_31, %dot_general3A {dimension_numbers = #tpu.dot_dimension_numbers<[1], [0], [0], [1], [0, 0, 1, 1], [], []>, precision = #tpu.contract_precision<fp32>, transpose_lhs_hint = false} : vector<2000x128xf32>, vector<128x128xf32>, vector<2000x128xf32> -> vector<2000x128xf32>
    %get3A_33 = arith.constant 0 : index
    %get3A_34 = arith.constant 0 : index
    %get3A_35 = vector.load %arg9[%get3A_33, %get3A_34] : memref<2000x20xf32, #tpu.memory_space<vmem>>, vector<2000x20xf32>
    %get3A_36 = arith.constant 0 : index
    %get3A_37 = arith.constant 0 : index
    %get3A_38 = arith.constant 0 : index
    %get3A_39 = arith.constant 0 : index
    %get3A_40 = vector.load %arg5[%get3A_36, %get3A_37, %get3A_38, %get3A_39] : memref<1x1x20x128xf32, #tpu.memory_space<vmem>>, vector<1x1x20x128xf32>
    %get3A_41 = vector.shape_cast %get3A_40 : vector<1x1x20x128xf32> to vector<20x128xf32>
    %dot_general3A_42 = arith.constant dense<0.000000e+00> : vector<2000x128xf32>
    %dot_general3A_43 = tpu.matmul %get3A_35, %get3A_41, %dot_general3A_42 {dimension_numbers = #tpu.dot_dimension_numbers<[1], [0], [0], [1], [0, 0, 1, 1], [], []>, precision = #tpu.contract_precision<fp32>, transpose_lhs_hint = false} : vector<2000x20xf32>, vector<20x128xf32>, vector<2000x128xf32> -> vector<2000x128xf32>
    %add3A_44 = arith.addf %dot_general3A_32, %dot_general3A_43 : vector<2000x128xf32>
    %get3A_45 = arith.constant 0 : index
    %get3A_46 = arith.constant 0 : index
    %get3A_47 = vector.load %arg10[%get3A_45, %get3A_46] : memref<2000x100xf32, #tpu.memory_space<vmem>>, vector<2000x100xf32>
    %get3A_48 = arith.constant 0 : index
    %get3A_49 = arith.constant 0 : index
    %get3A_50 = arith.constant 0 : index
    %get3A_51 = vector.load %arg6[%get3A_48, %get3A_49, %get3A_50] : memref<1x100x128xf32, #tpu.memory_space<vmem>>, vector<1x100x128xf32>
    %get3A_52 = vector.shape_cast %get3A_51 : vector<1x100x128xf32> to vector<100x128xf32>
    %dot_general3A_53 = arith.constant dense<0.000000e+00> : vector<2000x128xf32>
    %dot_general3A_54 = tpu.matmul %get3A_47, %get3A_52, %dot_general3A_53 {dimension_numbers = #tpu.dot_dimension_numbers<[1], [0], [0], [1], [0, 0, 1, 1], [], []>, precision = #tpu.contract_precision<fp32>, transpose_lhs_hint = false} : vector<2000x100xf32>, vector<100x128xf32>, vector<2000x128xf32> -> vector<2000x128xf32>
    %add3A_55 = arith.addf %add3A_44, %dot_general3A_54 : vector<2000x128xf32>
    %swap3A = arith.constant 0 : index
    %swap3A_56 = arith.constant 0 : index
    %swap3A_57 = arith.constant 0 : index
    %swap3A_58 = vector.load %arg12[%swap3A, %swap3A_56, %swap3A_57] : memref<1x2000x128xf32, #tpu.memory_space<vmem>>, vector<1x2000x128xf32>
    %swap3A_59 = vector.shape_cast %swap3A_58 : vector<1x2000x128xf32> to vector<2000x128xf32>
    %swap3A_60 = vector.shape_cast %add3A_28 : vector<2000x128xf32> to vector<1x2000x128xf32>
    tpu.vector_store %arg12[%swap3A, %swap3A_56, %swap3A_57], %swap3A_60 {strides = array<i32>} : memref<1x2000x128xf32, #tpu.memory_space<vmem>>, vector<1x2000x128xf32>,
    %swap3A_61 = arith.constant 0 : index
    %swap3A_62 = arith.constant 0 : index
    %swap3A_63 = arith.constant 0 : index
    %swap3A_64 = vector.load %arg13[%swap3A_61, %swap3A_62, %swap3A_63] : memref<1x2000x128xf32, #tpu.memory_space<vmem>>, vector<1x2000x128xf32>
    %swap3A_65 = vector.shape_cast %swap3A_64 : vector<1x2000x128xf32> to vector<2000x128xf32>
    %swap3A_66 = vector.shape_cast %add3A_55 : vector<2000x128xf32> to vector<1x2000x128xf32>
    tpu.vector_store %arg13[%swap3A_61, %swap3A_62, %swap3A_63], %swap3A_66 {strides = array<i32>} : memref<1x2000x128xf32, #tpu.memory_space<vmem>>, vector<1x2000x128xf32>,
    %logistic3A = arith.negf %add3A_55 : vector<2000x128xf32>
    %logistic3A_67 = math.exp %logistic3A : vector<2000x128xf32>
    %logistic3A_68 = arith.constant 1.000000e+00 : f32
    %logistic3A_69 = vector.broadcast %logistic3A_68 : f32 to vector<2000x128xf32>
    %logistic3A_70 = arith.addf %logistic3A_69, %logistic3A_67 : vector<2000x128xf32>
    %logistic3A_71 = arith.divf %logistic3A_69, %logistic3A_70 : vector<2000x128xf32>
    %get3A_72 = arith.constant 0 : index
    %get3A_73 = arith.constant 0 : index
    %get3A_74 = vector.load %arg11[%get3A_72, %get3A_73] : memref<20x2000xf32, #tpu.memory_space<vmem>>, vector<20x2000xf32>
    %dot_general3A_75 = arith.constant dense<0.000000e+00> : vector<20x128xf32>
    %dot_general3A_76 = tpu.matmul %get3A_74, %logistic3A_71, %dot_general3A_75 {dimension_numbers = #tpu.dot_dimension_numbers<[1], [0], [0], [1], [0, 0, 1, 1], [], []>, precision = #tpu.contract_precision<fp32>, transpose_lhs_hint = false} : vector<20x2000xf32>, vector<2000x128xf32>, vector<20x128xf32> -> vector<20x128xf32>
    %swap3A_77 = arith.constant 0 : index
    %swap3A_78 = arith.constant 0 : index
    %swap3A_79 = arith.constant 0 : index
    %swap3A_80 = arith.constant 0 : index
    %swap3A_81 = vector.load %arg15[%swap3A_77, %swap3A_78, %swap3A_79, %swap3A_80] : memref<1x1x20x128xf32, #tpu.memory_space<vmem>>, vector<1x1x20x128xf32>
    %swap3A_82 = vector.shape_cast %swap3A_81 : vector<1x1x20x128xf32> to vector<20x128xf32>
    %swap3A_83 = vector.shape_cast %dot_general3A_76 : vector<20x128xf32> to vector<1x1x20x128xf32>
    tpu.vector_store %arg15[%swap3A_77, %swap3A_78, %swap3A_79, %swap3A_80], %swap3A_83 {strides = array<i32>} : memref<1x1x20x128xf32, #tpu.memory_space<vmem>>, vector<1x1x20x128xf32>,
    %get3A_84 = arith.constant 0 : index
    %get3A_85 = arith.constant 0 : index
    %get3A_86 = vector.load %arg10[%get3A_84, %get3A_85] : memref<2000x100xf32, #tpu.memory_space<vmem>>, vector<2000x100xf32>
    %get3A_87 = arith.constant 0 : index
    %get3A_88 = arith.constant 0 : index
    %get3A_89 = arith.constant 0 : index
    %get3A_90 = vector.load %arg7[%get3A_87, %get3A_88, %get3A_89] : memref<1x100x128xf32, #tpu.memory_space<vmem>>, vector<1x100x128xf32>
    %get3A_91 = vector.shape_cast %get3A_90 : vector<1x100x128xf32> to vector<100x128xf32>
    %dot_general3A_92 = arith.constant dense<0.000000e+00> : vector<2000x128xf32>
    %dot_general3A_93 = tpu.matmul %get3A_86, %get3A_91, %dot_general3A_92 {dimension_numbers = #tpu.dot_dimension_numbers<[1], [0], [0], [1], [0, 0, 1, 1], [], []>, precision = #tpu.contract_precision<fp32>, transpose_lhs_hint = false} : vector<2000x100xf32>, vector<100x128xf32>, vector<2000x128xf32> -> vector<2000x128xf32>
    %get3A_94 = arith.constant 0 : index
    %get3A_95 = arith.constant 0 : index
    %get3A_96 = vector.load %arg11[%get3A_94, %get3A_95] : memref<20x2000xf32, #tpu.memory_space<vmem>>, vector<20x2000xf32>
    %mul3A_97 = arith.mulf %logistic3A_71, %dot_general3A_93 : vector<2000x128xf32>
    %dot_general3A_98 = arith.constant dense<0.000000e+00> : vector<20x128xf32>
    %dot_general3A_99 = tpu.matmul %get3A_96, %mul3A_97, %dot_general3A_98 {dimension_numbers = #tpu.dot_dimension_numbers<[1], [0], [0], [1], [0, 0, 1, 1], [], []>, precision = #tpu.contract_precision<fp32>, transpose_lhs_hint = false} : vector<20x2000xf32>, vector<2000x128xf32>, vector<20x128xf32> -> vector<20x128xf32>
    %swap3A_100 = arith.constant 0 : index
    %swap3A_101 = arith.constant 0 : index
    %swap3A_102 = arith.constant 0 : index
    %swap3A_103 = arith.constant 0 : index
    %swap3A_104 = vector.load %arg16[%swap3A_100, %swap3A_101, %swap3A_102, %swap3A_103] : memref<1x1x20x128xf32, #tpu.memory_space<vmem>>, vector<1x1x20x128xf32>
    %swap3A_105 = vector.shape_cast %swap3A_104 : vector<1x1x20x128xf32> to vector<20x128xf32>
    %swap3A_106 = vector.shape_cast %dot_general3A_99 : vector<20x128xf32> to vector<1x1x20x128xf32>
    tpu.vector_store %arg16[%swap3A_100, %swap3A_101, %swap3A_102, %swap3A_103], %swap3A_106 {strides = array<i32>} : memref<1x1x20x128xf32, #tpu.memory_space<vmem>>, vector<1x1x20x128xf32>,
    %eq3A = arith.constant 0 : i32
    %eq3A_107 = arith.cmpi eq, %arg0, %eq3A : i32
    %eq3A_108 = arith.constant 0 : i32
    %eq3A_109 = arith.cmpi eq, %arg1, %eq3A_108 : i32
    %and3A = arith.andi %eq3A_107, %eq3A_109 : i1
    %convert_element_type3A = arith.extui %and3A : i1 to i32
    %cond3A = arith.constant 0 : i32
    %cond3A_110 = arith.cmpi ne, %convert_element_type3A, %cond3A : i32
    scf.if %cond3A_110 {
      %broadcast_in_dim3A_130 = arith.constant 0.000000e+00 : f32
      %broadcast_in_dim3A_131 = vector.broadcast %broadcast_in_dim3A_130 : f32 to vector<8x128xf32>
      %swap3A_132 = arith.constant 0 : index
      %swap3A_133 = arith.constant 0 : index
      %swap3A_134 = vector.load %arg14[%swap3A_132, %swap3A_133] : memref<8x128xf32, #tpu.memory_space<vmem>>, vector<8x128xf32>
      tpu.vector_store %arg14[%swap3A_132, %swap3A_133], %broadcast_in_dim3A_131 {strides = array<i32>} : memref<8x128xf32, #tpu.memory_space<vmem>>, vector<8x128xf32>,
    } else {
    }
    %get3A_111 = arith.constant 0 : index
    %get3A_112 = arith.constant 0 : index
    %get3A_113 = vector.load %arg14[%get3A_111, %get3A_112] : memref<8x128xf32, #tpu.memory_space<vmem>>, vector<1x128xf32>
    %reduce_sum3A = arith.constant dense<0.000000e+00> : vector<128xf32>
    %reduce_sum3A_114 = vector.multi_reduction <add>, %add3A_55, %reduce_sum3A [0] : vector<2000x128xf32> to vector<128xf32>
    %broadcast_in_dim3A = vector.shape_cast %reduce_sum3A_114 : vector<128xf32> to vector<1x128xf32>
    %add3A_115 = arith.addf %get3A_113, %broadcast_in_dim3A : vector<1x128xf32>
    %swap3A_116 = arith.constant 0 : index
    %swap3A_117 = arith.constant 0 : index
    %swap3A_118 = vector.load %arg14[%swap3A_116, %swap3A_117] : memref<8x128xf32, #tpu.memory_space<vmem>>, vector<1x128xf32>
    tpu.vector_store %arg14[%swap3A_116, %swap3A_117], %add3A_115 {strides = array<i32>} : memref<8x128xf32, #tpu.memory_space<vmem>>, vector<1x128xf32>,
    %get3A_119 = arith.constant 1 : index
    %get3A_120 = arith.constant 0 : index
    %get3A_121 = vector.load %arg14[%get3A_119, %get3A_120] : memref<8x128xf32, #tpu.memory_space<vmem>>, vector<1x128xf32>
    %mul3A_122 = arith.mulf %add3A_55, %add3A_55 : vector<2000x128xf32>
    %reduce_sum3A_123 = arith.constant dense<0.000000e+00> : vector<128xf32>
    %reduce_sum3A_124 = vector.multi_reduction <add>, %mul3A_122, %reduce_sum3A_123 [0] : vector<2000x128xf32> to vector<128xf32>
    %broadcast_in_dim3A_125 = vector.shape_cast %reduce_sum3A_124 : vector<128xf32> to vector<1x128xf32>
    %add3A_126 = arith.addf %get3A_121, %broadcast_in_dim3A_125 : vector<1x128xf32>
    %swap3A_127 = arith.constant 1 : index
    %swap3A_128 = arith.constant 0 : index
    %swap3A_129 = vector.load %arg14[%swap3A_127, %swap3A_128] : memref<8x128xf32, #tpu.memory_space<vmem>>, vector<1x128xf32>
    tpu.vector_store %arg14[%swap3A_127, %swap3A_128], %add3A_126 {strides = array<i32>} : memref<8x128xf32, #tpu.memory_space<vmem>>, vector<1x128xf32>,
    return
  }
  func.func @transform_0(%arg0: i32, %arg1: i32) -> (i32, i32, i32) {
    %c0_i32 = arith.constant 0 : i32
    %c0_i32_0 = arith.constant 0 : i32
    return %arg0, %arg1, %c0_i32 : i32, i32, i32
  }
  func.func @transform_1(%arg0: i32, %arg1: i32) -> (i32, i32, i32) {
    %c0_i32 = arith.constant 0 : i32
    %c0_i32_0 = arith.constant 0 : i32
    return %arg0, %arg1, %c0_i32 : i32, i32, i32
  }
  func.func @transform_2(%arg0: i32, %arg1: i32) -> (i32, i32) {
    %c0_i32 = arith.constant 0 : i32
    %c0_i32_0 = arith.constant 0 : i32
    %c0_i32_1 = arith.constant 0 : i32
    return %c0_i32, %c0_i32_0 : i32, i32
  }
  func.func @transform_3(%arg0: i32, %arg1: i32) -> (i32, i32, i32, i32) {
    %c0_i32 = arith.constant 0 : i32
    %c0_i32_0 = arith.constant 0 : i32
    %c0_i32_1 = arith.constant 0 : i32
    return %arg0, %arg1, %c0_i32, %c0_i32_0 : i32, i32, i32, i32
  }
  func.func @transform_4(%arg0: i32, %arg1: i32) -> (i32, i32, i32) {
    %c0_i32 = arith.constant 0 : i32
    %c0_i32_0 = arith.constant 0 : i32
    %c0_i32_1 = arith.constant 0 : i32
    return %arg0, %c0_i32, %c0_i32_0 : i32, i32, i32
  }
  func.func @transform_5(%arg0: i32, %arg1: i32) -> (i32, i32, i32) {
    %c0_i32 = arith.constant 0 : i32
    %c0_i32_0 = arith.constant 0 : i32
    %c0_i32_1 = arith.constant 0 : i32
    return %arg0, %c0_i32, %c0_i32_0 : i32, i32, i32
  }
  func.func @transform_6(%arg0: i32, %arg1: i32) -> (i32, i32) {
    %c0_i32 = arith.constant 0 : i32
    %c0_i32_0 = arith.constant 0 : i32
    %c0_i32_1 = arith.constant 0 : i32
    return %c0_i32, %c0_i32_0 : i32, i32
  }
  func.func @transform_7(%arg0: i32, %arg1: i32) -> (i32, i32) {
    %c0_i32 = arith.constant 0 : i32
    %c0_i32_0 = arith.constant 0 : i32
    %c0_i32_1 = arith.constant 0 : i32
    return %c0_i32, %c0_i32_0 : i32, i32
  }
  func.func @transform_8(%arg0: i32, %arg1: i32) -> (i32, i32) {
    %c0_i32 = arith.constant 0 : i32
    %c0_i32_0 = arith.constant 0 : i32
    %c0_i32_1 = arith.constant 0 : i32
    return %c0_i32, %c0_i32_0 : i32, i32
  }
  func.func @transform_9(%arg0: i32, %arg1: i32) -> (i32, i32) {
    %c0_i32 = arith.constant 0 : i32
    %c0_i32_0 = arith.constant 0 : i32
    %c0_i32_1 = arith.constant 0 : i32
    return %c0_i32, %c0_i32_0 : i32, i32
  }
  func.func @transform_10(%arg0: i32, %arg1: i32) -> (i32, i32, i32) {
    %c0_i32 = arith.constant 0 : i32
    %c0_i32_0 = arith.constant 0 : i32
    return %arg0, %arg1, %c0_i32 : i32, i32, i32
  }
  func.func @transform_11(%arg0: i32, %arg1: i32) -> (i32, i32, i32) {
    %c0_i32 = arith.constant 0 : i32
    %c0_i32_0 = arith.constant 0 : i32
    return %arg0, %arg1, %c0_i32 : i32, i32, i32
  }
  func.func @transform_12(%arg0: i32, %arg1: i32) -> (i32, i32) {
    %c0_i32 = arith.constant 0 : i32
    %c0_i32_0 = arith.constant 0 : i32
    %c0_i32_1 = arith.constant 0 : i32
    return %c0_i32, %c0_i32_0 : i32, i32
  }
  func.func @transform_13(%arg0: i32, %arg1: i32) -> (i32, i32, i32, i32) {
    %c0_i32 = arith.constant 0 : i32
    %c0_i32_0 = arith.constant 0 : i32
    %c0_i32_1 = arith.constant 0 : i32
    return %arg0, %arg1, %c0_i32, %c0_i32_0 : i32, i32, i32, i32
  }
  func.func @transform_14(%arg0: i32, %arg1: i32) -> (i32, i32, i32, i32) {
    %c0_i32 = arith.constant 0 : i32
    %c0_i32_0 = arith.constant 0 : i32
    %c0_i32_1 = arith.constant 0 : i32
    return %arg0, %arg1, %c0_i32, %c0_i32_0 : i32, i32, i32, i32
  }
}

module attributes {stable_mosaic.version = 14 : i64} {
  func.func @_h1_body(%arg0: i32, %arg1: i32, %arg2: memref<1x5000x128xf32, #tpu.memory_space<vmem>>, %arg3: memref<1x5000x128xf32, #tpu.memory_space<vmem>>, %arg4: memref<8x128xf32, #tpu.memory_space<vmem>>, %arg5: memref<128x128xf32, #tpu.memory_space<vmem>>, %arg6: memref<1x128xf32, #tpu.memory_space<vmem>>, %arg7: memref<1x5000x128xf32, #tpu.memory_space<vmem>>, %arg8: memref<1x5000x128xf32, #tpu.memory_space<vmem>>) attributes {dimension_semantics = [#tpu.dimension_semantics<arbitrary>, #tpu.dimension_semantics<arbitrary>], iteration_bounds = array<i64: 16, 2>, scalar_prefetch = 0 : i64, scratch_operands = 0 : i64, tpu.core_type = #tpu.core_type<tc>, window_params = [{transform_indices = @transform_0, window_bounds = array<i64: 1, 5000, 128>}, {transform_indices = @transform_1, window_bounds = array<i64: 1, 5000, 128>}, {pipeline_mode = #tpu.pipeline_mode<synchronous>, transform_indices = @transform_2, window_bounds = array<i64: 8, 128>}, {pipeline_mode = #tpu.pipeline_mode<synchronous>, transform_indices = @transform_3, window_bounds = array<i64: 128, 128>}, {pipeline_mode = #tpu.pipeline_mode<synchronous>, transform_indices = @transform_4, window_bounds = array<i64: 1, 128>}, {transform_indices = @transform_5, window_bounds = array<i64: 1, 5000, 128>}, {transform_indices = @transform_6, window_bounds = array<i64: 1, 5000, 128>}]} {
    %get3A = arith.constant 0 : index
    %get3A_0 = arith.constant 0 : index
    %get3A_1 = vector.load %arg4[%get3A, %get3A_0] : memref<8x128xf32, #tpu.memory_space<vmem>>, vector<1x128xf32>
    %div3A = arith.constant 1.600000e+05 : f32
    %div3A_2 = vector.broadcast %div3A : f32 to vector<1x128xf32>
    %div3A_3 = arith.divf %get3A_1, %div3A_2 : vector<1x128xf32>
    %get3A_4 = arith.constant 1 : index
    %get3A_5 = arith.constant 0 : index
    %get3A_6 = vector.load %arg4[%get3A_4, %get3A_5] : memref<8x128xf32, #tpu.memory_space<vmem>>, vector<1x128xf32>
    %div3A_7 = arith.constant 1.600000e+05 : f32
    %div3A_8 = vector.broadcast %div3A_7 : f32 to vector<1x128xf32>
    %div3A_9 = arith.divf %get3A_6, %div3A_8 : vector<1x128xf32>
    %mul3A = arith.mulf %div3A_3, %div3A_3 : vector<1x128xf32>
    %sub3A = arith.subf %div3A_9, %mul3A : vector<1x128xf32>
    %add3A = arith.constant 9.99999974E-6 : f32
    %add3A_10 = vector.broadcast %add3A : f32 to vector<1x128xf32>
    %add3A_11 = arith.addf %sub3A, %add3A_10 : vector<1x128xf32>
    %rsqrt3A = math.rsqrt %add3A_11 : vector<1x128xf32>
    %get3A_12 = arith.constant 0 : index
    %get3A_13 = arith.constant 0 : index
    %get3A_14 = arith.constant 0 : index
    %get3A_15 = vector.load %arg2[%get3A_12, %get3A_13, %get3A_14] : memref<1x5000x128xf32, #tpu.memory_space<vmem>>, vector<1x5000x128xf32>
    %get3A_16 = vector.shape_cast %get3A_15 : vector<1x5000x128xf32> to vector<5000x128xf32>
    %get3A_17 = arith.constant 0 : index
    %get3A_18 = arith.constant 0 : index
    %get3A_19 = arith.constant 0 : index
    %get3A_20 = vector.load %arg3[%get3A_17, %get3A_18, %get3A_19] : memref<1x5000x128xf32, #tpu.memory_space<vmem>>, vector<1x5000x128xf32>
    %get3A_21 = vector.shape_cast %get3A_20 : vector<1x5000x128xf32> to vector<5000x128xf32>
    %sub3A_22 = vector.broadcast %div3A_3 : vector<1x128xf32> to vector<5000x128xf32>
    %sub3A_23 = arith.subf %get3A_21, %sub3A_22 : vector<5000x128xf32>
    %mul3A_24 = vector.broadcast %rsqrt3A : vector<1x128xf32> to vector<5000x128xf32>
    %mul3A_25 = arith.mulf %sub3A_23, %mul3A_24 : vector<5000x128xf32>
    %max3A = arith.constant 0.000000e+00 : f32
    %max3A_26 = vector.broadcast %max3A : f32 to vector<5000x128xf32>
    %max3A_27 = arith.maximumf %mul3A_25, %max3A_26 : vector<5000x128xf32>
    %add3A_28 = arith.addf %get3A_16, %max3A_27 : vector<5000x128xf32>
    %swap3A = arith.constant 0 : index
    %swap3A_29 = arith.constant 0 : index
    %swap3A_30 = arith.constant 0 : index
    %swap3A_31 = vector.load %arg7[%swap3A, %swap3A_29, %swap3A_30] : memref<1x5000x128xf32, #tpu.memory_space<vmem>>, vector<1x5000x128xf32>
    %swap3A_32 = vector.shape_cast %swap3A_31 : vector<1x5000x128xf32> to vector<5000x128xf32>
    %swap3A_33 = vector.shape_cast %add3A_28 : vector<5000x128xf32> to vector<1x5000x128xf32>
    tpu.vector_store %arg7[%swap3A, %swap3A_29, %swap3A_30], %swap3A_33 {strides = array<i32>} : memref<1x5000x128xf32, #tpu.memory_space<vmem>>, vector<1x5000x128xf32>,
    %get3A_34 = arith.constant 0 : index
    %get3A_35 = arith.constant 0 : index
    %get3A_36 = vector.load %arg5[%get3A_34, %get3A_35] : memref<128x128xf32, #tpu.memory_space<vmem>>, vector<128x128xf32>
    %dot_general3A = arith.constant dense<0.000000e+00> : vector<5000x128xf32>
    %dot_general3A_37 = tpu.matmul %add3A_28, %get3A_36, %dot_general3A {dimension_numbers = #tpu.dot_dimension_numbers<[1], [0], [0], [1], [0, 0, 1, 1], [], []>, precision = #tpu.contract_precision<fp32>, transpose_lhs_hint = false} : vector<5000x128xf32>, vector<128x128xf32>, vector<5000x128xf32> -> vector<5000x128xf32>
    %get3A_38 = arith.constant 0 : index
    %get3A_39 = arith.constant 0 : index
    %get3A_40 = vector.load %arg6[%get3A_38, %get3A_39] : memref<1x128xf32, #tpu.memory_space<vmem>>, vector<1x128xf32>
    %add3A_41 = vector.broadcast %get3A_40 : vector<1x128xf32> to vector<5000x128xf32>
    %add3A_42 = arith.addf %dot_general3A_37, %add3A_41 : vector<5000x128xf32>
    %swap3A_43 = arith.constant 0 : index
    %swap3A_44 = arith.constant 0 : index
    %swap3A_45 = arith.constant 0 : index
    %swap3A_46 = vector.load %arg8[%swap3A_43, %swap3A_44, %swap3A_45] : memref<1x5000x128xf32, #tpu.memory_space<vmem>>, vector<1x5000x128xf32>
    %swap3A_47 = vector.shape_cast %swap3A_46 : vector<1x5000x128xf32> to vector<5000x128xf32>
    %swap3A_48 = vector.shape_cast %add3A_42 : vector<5000x128xf32> to vector<1x5000x128xf32>
    tpu.vector_store %arg8[%swap3A_43, %swap3A_44, %swap3A_45], %swap3A_48 {strides = array<i32>} : memref<1x5000x128xf32, #tpu.memory_space<vmem>>, vector<1x5000x128xf32>,
    return
  }
  func.func @transform_0(%arg0: i32, %arg1: i32) -> (i32, i32, i32) {
    %c0_i32 = arith.constant 0 : i32
    %c0_i32_0 = arith.constant 0 : i32
    return %arg0, %arg1, %c0_i32 : i32, i32, i32
  }
  func.func @transform_1(%arg0: i32, %arg1: i32) -> (i32, i32, i32) {
    %c0_i32 = arith.constant 0 : i32
    %c0_i32_0 = arith.constant 0 : i32
    return %arg0, %arg1, %c0_i32 : i32, i32, i32
  }
  func.func @transform_2(%arg0: i32, %arg1: i32) -> (i32, i32) {
    %c0_i32 = arith.constant 0 : i32
    %c0_i32_0 = arith.constant 0 : i32
    %c0_i32_1 = arith.constant 0 : i32
    return %c0_i32, %c0_i32_0 : i32, i32
  }
  func.func @transform_3(%arg0: i32, %arg1: i32) -> (i32, i32) {
    %c0_i32 = arith.constant 0 : i32
    %c0_i32_0 = arith.constant 0 : i32
    %c0_i32_1 = arith.constant 0 : i32
    return %c0_i32, %c0_i32_0 : i32, i32
  }
  func.func @transform_4(%arg0: i32, %arg1: i32) -> (i32, i32) {
    %c0_i32 = arith.constant 0 : i32
    %c0_i32_0 = arith.constant 0 : i32
    %c0_i32_1 = arith.constant 0 : i32
    return %c0_i32, %c0_i32_0 : i32, i32
  }
  func.func @transform_5(%arg0: i32, %arg1: i32) -> (i32, i32, i32) {
    %c0_i32 = arith.constant 0 : i32
    %c0_i32_0 = arith.constant 0 : i32
    return %arg0, %arg1, %c0_i32 : i32, i32, i32
  }
  func.func @transform_6(%arg0: i32, %arg1: i32) -> (i32, i32, i32) {
    %c0_i32 = arith.constant 0 : i32
    %c0_i32_0 = arith.constant 0 : i32
    return %arg0, %arg1, %c0_i32 : i32, i32, i32
  }
}

module attributes {stable_mosaic.version = 14 : i64} {
  func.func @_h2_body(%arg0: i32, %arg1: i32, %arg2: memref<1x5000x128xf32, #tpu.memory_space<vmem>>, %arg3: memref<1x5000x128xf32, #tpu.memory_space<vmem>>, %arg4: memref<1x100x128xf32, #tpu.memory_space<vmem>>, %arg5: memref<1x100x100xf32, #tpu.memory_space<vmem>>, %arg6: memref<1x100x100xf32, #tpu.memory_space<vmem>>, %arg7: memref<1x100x100xf32, #tpu.memory_space<vmem>>, %arg8: memref<5000x50xf32, #tpu.memory_space<vmem>>, %arg9: memref<5000x100xf32, #tpu.memory_space<vmem>>, %arg10: memref<50x5000xf32, #tpu.memory_space<vmem>>, %arg11: memref<384x128xf32, #tpu.memory_space<vmem>>, %arg12: memref<8x128xf32, #tpu.memory_space<vmem>>, %arg13: memref<128x1xf32, #tpu.memory_space<vmem>>, %arg14: memref<128x128xf32, #tpu.memory_space<vmem>>, %arg15: memref<128x128xf32, #tpu.memory_space<vmem>>, %arg16: memref<1x16x128xf32, #tpu.memory_space<vmem>>) attributes {dimension_semantics = [#tpu.dimension_semantics<arbitrary>, #tpu.dimension_semantics<arbitrary>], iteration_bounds = array<i64: 16, 2>, scalar_prefetch = 0 : i64, scratch_operands = 0 : i64, tpu.core_type = #tpu.core_type<tc>, window_params = [{transform_indices = @transform_0, window_bounds = array<i64: 1, 5000, 128>}, {transform_indices = @transform_1, window_bounds = array<i64: 1, 5000, 128>}, {transform_indices = @transform_2, window_bounds = array<i64: 1, 100, 128>}, {transform_indices = @transform_3, window_bounds = array<i64: 1, 100, 100>}, {transform_indices = @transform_4, window_bounds = array<i64: 1, 100, 100>}, {transform_indices = @transform_5, window_bounds = array<i64: 1, 100, 100>}, {pipeline_mode = #tpu.pipeline_mode<synchronous>, transform_indices = @transform_6, window_bounds = array<i64: 5000, 50>}, {pipeline_mode = #tpu.pipeline_mode<synchronous>, transform_indices = @transform_7, window_bounds = array<i64: 5000, 100>}, {pipeline_mode = #tpu.pipeline_mode<synchronous>, transform_indices = @transform_8, window_bounds = array<i64: 50, 5000>}, {pipeline_mode = #tpu.pipeline_mode<synchronous>, transform_indices = @transform_9, window_bounds = array<i64: 384, 128>}, {pipeline_mode = #tpu.pipeline_mode<synchronous>, transform_indices = @transform_10, window_bounds = array<i64: 8, 128>}, {pipeline_mode = #tpu.pipeline_mode<synchronous>, transform_indices = @transform_11, window_bounds = array<i64: 128, 1>}, {pipeline_mode = #tpu.pipeline_mode<synchronous>, transform_indices = @transform_12, window_bounds = array<i64: 128, 128>}, {pipeline_mode = #tpu.pipeline_mode<synchronous>, transform_indices = @transform_13, window_bounds = array<i64: 128, 128>}, {transform_indices = @transform_14, window_bounds = array<i64: 1, 16, 128>}]} {
    %get3A = arith.constant 0 : index
    %get3A_0 = arith.constant 0 : index
    %get3A_1 = arith.constant 0 : index
    %get3A_2 = vector.load %arg5[%get3A, %get3A_0, %get3A_1] : memref<1x100x100xf32, #tpu.memory_space<vmem>>, vector<1x100x100xf32>
    %get3A_3 = vector.shape_cast %get3A_2 : vector<1x100x100xf32> to vector<100x100xf32>
    %get3A_4 = arith.constant 0 : index
    %get3A_5 = arith.constant 0 : index
    %get3A_6 = vector.load %arg8[%get3A_4, %get3A_5] : memref<5000x50xf32, #tpu.memory_space<vmem>>, vector<5000x50xf32>
    %get3A_7 = arith.constant 0 : index
    %get3A_8 = arith.constant 0 : index
    %get3A_9 = vector.load %arg9[%get3A_7, %get3A_8] : memref<5000x100xf32, #tpu.memory_space<vmem>>, vector<5000x100xf32>
    %iota3A = tpu.iota {dimensions = array<i32: 0>} : vector<100x100xi32>
    %convert_element_type3A = arith.sitofp %iota3A : vector<100x100xi32> to vector<100x100xf32>
    %iota3A_10 = tpu.iota {dimensions = array<i32: 1>} : vector<100x100xi32>
    %convert_element_type3A_11 = arith.sitofp %iota3A_10 : vector<100x100xi32> to vector<100x100xf32>
    %eq3A = arith.cmpf oeq, %convert_element_type3A, %convert_element_type3A_11 : vector<100x100xf32>
    %jit3A = arith.constant 1.000000e+00 : f32
    %jit3A_12 = arith.constant 0.000000e+00 : f32
    %broadcast_in_dim3A = vector.broadcast %jit3A : f32 to vector<100x100xf32>
    %broadcast_in_dim3A_13 = vector.broadcast %jit3A_12 : f32 to vector<100x100xf32>
    %select_n3A = arith.select %eq3A, %broadcast_in_dim3A, %broadcast_in_dim3A_13 : vector<100x100xi1>, vector<100x100xf32>
    %iota3A_14 = tpu.iota {dimensions = array<i32: 0>} : vector<50x100xi32>
    %iota3A_15 = tpu.iota {dimensions = array<i32: 1>} : vector<50x100xi32>
    %mul3A = arith.constant 50 : i32
    %mul3A_16 = arith.muli %arg1, %mul3A : i32
    %add3A = vector.broadcast %mul3A_16 : i32 to vector<50x100xi32>
    %add3A_17 = arith.addi %iota3A_14, %add3A : vector<50x100xi32>
    %eq3A_18 = arith.cmpi eq, %add3A_17, %iota3A_15 : vector<50x100xi32>
    %jit3A_19 = arith.constant 1.000000e+00 : f32
    %jit3A_20 = arith.constant 0.000000e+00 : f32
    %broadcast_in_dim3A_21 = vector.broadcast %jit3A_19 : f32 to vector<50x100xf32>
    %broadcast_in_dim3A_22 = vector.broadcast %jit3A_20 : f32 to vector<50x100xf32>
    %select_n3A_23 = arith.select %eq3A_18, %broadcast_in_dim3A_21, %broadcast_in_dim3A_22 : vector<50x100xi1>, vector<50x100xf32>
    %mul3A_24 = arith.mulf %get3A_3, %convert_element_type3A_11 : vector<100x100xf32>
    %reduce_sum3A = arith.constant dense<0.000000e+00> : vector<100xf32>
    %reduce_sum3A_25 = vector.multi_reduction <add>, %mul3A_24, %reduce_sum3A [1] : vector<100x100xf32> to vector<100xf32>
    %broadcast_in_dim3A_26 = vector.shape_cast %reduce_sum3A_25 : vector<100xf32> to vector<100x1xf32>
    %slice3A = vector.extract_strided_slice %convert_element_type3A {offsets = [0, 0], sizes = [100, 1], strides = [1, 1]} : vector<100x100xf32> to vector<100x1xf32>
    %min3A = arith.minimumf %slice3A, %broadcast_in_dim3A_26 : vector<100x1xf32>
    %max3A = arith.maximumf %slice3A, %broadcast_in_dim3A_26 : vector<100x1xf32>
    %mul3A_27 = arith.constant 1.000000e+02 : f32
    %mul3A_28 = vector.broadcast %mul3A_27 : f32 to vector<100x1xf32>
    %mul3A_29 = arith.mulf %min3A, %mul3A_28 : vector<100x1xf32>
    %add3A_30 = arith.addf %mul3A_29, %max3A : vector<100x1xf32>
    %dot_general3A = arith.constant dense<0.000000e+00> : vector<1x100xf32>
    %dot_general3A_31 = tpu.matmul %add3A_30, %select_n3A, %dot_general3A {dimension_numbers = #tpu.dot_dimension_numbers<[0], [0], [1], [1], [0, 1, 1, 1], [], []>, precision = #tpu.contract_precision<fp32>, transpose_lhs_hint = false} : vector<100x1xf32>, vector<100x100xf32>, vector<1x100xf32> -> vector<1x100xf32>
    %lt3A = vector.broadcast %dot_general3A_31 : vector<1x100xf32> to vector<100x100xf32>
    %lt3A_32 = vector.broadcast %add3A_30 : vector<100x1xf32> to vector<100x100xf32>
    %lt3A_33 = arith.cmpf olt, %lt3A, %lt3A_32 : vector<100x100xf32>
    %jit3A_34 = arith.constant 1.000000e+00 : f32
    %jit3A_35 = arith.constant 0.000000e+00 : f32
    %broadcast_in_dim3A_36 = vector.broadcast %jit3A_34 : f32 to vector<100x100xf32>
    %broadcast_in_dim3A_37 = vector.broadcast %jit3A_35 : f32 to vector<100x100xf32>
    %select_n3A_38 = arith.select %lt3A_33, %broadcast_in_dim3A_36, %broadcast_in_dim3A_37 : vector<100x100xi1>, vector<100x100xf32>
    %reduce_sum3A_39 = arith.constant dense<0.000000e+00> : vector<100xf32>
    %reduce_sum3A_40 = vector.multi_reduction <add>, %select_n3A_38, %reduce_sum3A_39 [1] : vector<100x100xf32> to vector<100xf32>
    %broadcast_in_dim3A_41 = vector.shape_cast %reduce_sum3A_40 : vector<100xf32> to vector<100x1xf32>
    %get3A_42 = arith.constant 0 : index
    %get3A_43 = arith.constant 0 : index
    %get3A_44 = arith.constant 0 : index
    %get3A_45 = vector.load %arg6[%get3A_42, %get3A_43, %get3A_44] : memref<1x100x100xf32, #tpu.memory_space<vmem>>, vector<1x100x100xf32>
    %get3A_46 = vector.shape_cast %get3A_45 : vector<1x100x100xf32> to vector<100x100xf32>
    %mul3A_47 = arith.mulf %get3A_46, %get3A_3 : vector<100x100xf32>
    %reduce_sum3A_48 = arith.constant dense<0.000000e+00> : vector<100xf32>
    %reduce_sum3A_49 = vector.multi_reduction <add>, %mul3A_47, %reduce_sum3A_48 [1] : vector<100x100xf32> to vector<100xf32>
    %broadcast_in_dim3A_50 = vector.shape_cast %reduce_sum3A_49 : vector<100xf32> to vector<100x1xf32>
    %get3A_51 = arith.constant 0 : index
    %get3A_52 = arith.constant 0 : index
    %get3A_53 = arith.constant 0 : index
    %get3A_54 = vector.load %arg6[%get3A_51, %get3A_52, %get3A_53] : memref<1x100x100xf32, #tpu.memory_space<vmem>>, vector<1x100x100xf32>
    %get3A_55 = vector.shape_cast %get3A_54 : vector<1x100x100xf32> to vector<100x100xf32>
    %dot_general3A_56 = arith.constant dense<0.000000e+00> : vector<100x100xf32>
    %dot_general3A_57 = tpu.matmul %get3A_3, %get3A_55, %dot_general3A_56 {dimension_numbers = #tpu.dot_dimension_numbers<[1], [0], [0], [1], [0, 0, 1, 1], [], []>, precision = #tpu.contract_precision<fp32>, transpose_lhs_hint = false} : vector<100x100xf32>, vector<100x100xf32>, vector<100x100xf32> -> vector<100x100xf32>
    %dot_general3A_58 = arith.constant dense<0.000000e+00> : vector<100x100xf32>
    %dot_general3A_59 = tpu.matmul %dot_general3A_57, %get3A_3, %dot_general3A_58 {dimension_numbers = #tpu.dot_dimension_numbers<[1], [1], [0], [0], [0, 0, 1, 0], [], []>, precision = #tpu.contract_precision<fp32>, transpose_lhs_hint = false} : vector<100x100xf32>, vector<100x100xf32>, vector<100x100xf32> -> vector<100x100xf32>
    %eq3A_60 = vector.broadcast %broadcast_in_dim3A_41 : vector<100x1xf32> to vector<100x100xf32>
    %eq3A_61 = arith.cmpf oeq, %eq3A_60, %convert_element_type3A_11 : vector<100x100xf32>
    %jit3A_62 = arith.constant 1.000000e+00 : f32
    %jit3A_63 = arith.constant 0.000000e+00 : f32
    %broadcast_in_dim3A_64 = vector.broadcast %jit3A_62 : f32 to vector<100x100xf32>
    %broadcast_in_dim3A_65 = vector.broadcast %jit3A_63 : f32 to vector<100x100xf32>
    %select_n3A_66 = arith.select %eq3A_61, %broadcast_in_dim3A_64, %broadcast_in_dim3A_65 : vector<100x100xi1>, vector<100x100xf32>
    %get3A_67 = arith.constant 0 : index
    %get3A_68 = arith.constant 0 : index
    %get3A_69 = arith.constant 0 : index
    %get3A_70 = vector.load %arg7[%get3A_67, %get3A_68, %get3A_69] : memref<1x100x100xf32, #tpu.memory_space<vmem>>, vector<1x100x100xf32>
    %get3A_71 = vector.shape_cast %get3A_70 : vector<1x100x100xf32> to vector<100x100xf32>
    %dot_general3A_72 = arith.constant dense<0.000000e+00> : vector<100x100xf32>
    %dot_general3A_73 = tpu.matmul %select_n3A_66, %get3A_71, %dot_general3A_72 {dimension_numbers = #tpu.dot_dimension_numbers<[1], [0], [0], [1], [0, 0, 1, 1], [], []>, precision = #tpu.contract_precision<fp32>, transpose_lhs_hint = false} : vector<100x100xf32>, vector<100x100xf32>, vector<100x100xf32> -> vector<100x100xf32>
    %dot_general3A_74 = arith.constant dense<0.000000e+00> : vector<100x100xf32>
    %dot_general3A_75 = tpu.matmul %dot_general3A_73, %select_n3A_66, %dot_general3A_74 {dimension_numbers = #tpu.dot_dimension_numbers<[1], [1], [0], [0], [0, 0, 1, 0], [], []>, precision = #tpu.contract_precision<fp32>, transpose_lhs_hint = false} : vector<100x100xf32>, vector<100x100xf32>, vector<100x100xf32> -> vector<100x100xf32>
    %get3A_76 = arith.constant 0 : index
    %get3A_77 = arith.constant 0 : index
    %get3A_78 = arith.constant 0 : index
    %get3A_79 = vector.load %arg6[%get3A_76, %get3A_77, %get3A_78] : memref<1x100x100xf32, #tpu.memory_space<vmem>>, vector<1x100x100xf32>
    %get3A_80 = vector.shape_cast %get3A_79 : vector<1x100x100xf32> to vector<100x100xf32>
    %dot_general3A_81 = arith.constant dense<0.000000e+00> : vector<50x100xf32>
    %dot_general3A_82 = tpu.matmul %select_n3A_23, %get3A_80, %dot_general3A_81 {dimension_numbers = #tpu.dot_dimension_numbers<[1], [0], [0], [1], [0, 0, 1, 1], [], []>, precision = #tpu.contract_precision<fp32>, transpose_lhs_hint = false} : vector<50x100xf32>, vector<100x100xf32>, vector<50x100xf32> -> vector<50x100xf32>
    %dot_general3A_83 = arith.constant dense<0.000000e+00> : vector<50x100xf32>
    %dot_general3A_84 = tpu.matmul %select_n3A_23, %dot_general3A_59, %dot_general3A_83 {dimension_numbers = #tpu.dot_dimension_numbers<[1], [0], [0], [1], [0, 0, 1, 1], [], []>, precision = #tpu.contract_precision<fp32>, transpose_lhs_hint = false} : vector<50x100xf32>, vector<100x100xf32>, vector<50x100xf32> -> vector<50x100xf32>
    %dot_general3A_85 = arith.constant dense<0.000000e+00> : vector<50x100xf32>
    %dot_general3A_86 = tpu.matmul %select_n3A_23, %dot_general3A_75, %dot_general3A_85 {dimension_numbers = #tpu.dot_dimension_numbers<[1], [0], [0], [1], [0, 0, 1, 1], [], []>, precision = #tpu.contract_precision<fp32>, transpose_lhs_hint = false} : vector<50x100xf32>, vector<100x100xf32>, vector<50x100xf32> -> vector<50x100xf32>
    %dot_general3A_87 = arith.constant dense<0.000000e+00> : vector<50x1xf32>
    %dot_general3A_88 = tpu.matmul %select_n3A_23, %broadcast_in_dim3A_41, %dot_general3A_87 {dimension_numbers = #tpu.dot_dimension_numbers<[1], [0], [0], [1], [0, 0, 1, 1], [], []>, precision = #tpu.contract_precision<fp32>, transpose_lhs_hint = false} : vector<50x100xf32>, vector<100x1xf32>, vector<50x1xf32> -> vector<50x1xf32>
    %dot_general3A_89 = arith.constant dense<0.000000e+00> : vector<1x100xf32>
    %dot_general3A_90 = tpu.matmul %broadcast_in_dim3A_41, %select_n3A, %dot_general3A_89 {dimension_numbers = #tpu.dot_dimension_numbers<[0], [0], [1], [1], [0, 1, 1, 1], [], []>, precision = #tpu.contract_precision<fp32>, transpose_lhs_hint = false} : vector<100x1xf32>, vector<100x100xf32>, vector<1x100xf32> -> vector<1x100xf32>
    %dot_general3A_91 = arith.constant dense<0.000000e+00> : vector<50x1xf32>
    %dot_general3A_92 = tpu.matmul %select_n3A_23, %broadcast_in_dim3A_50, %dot_general3A_91 {dimension_numbers = #tpu.dot_dimension_numbers<[1], [0], [0], [1], [0, 0, 1, 1], [], []>, precision = #tpu.contract_precision<fp32>, transpose_lhs_hint = false} : vector<50x100xf32>, vector<100x1xf32>, vector<50x1xf32> -> vector<50x1xf32>
    %dot_general3A_93 = arith.constant dense<0.000000e+00> : vector<1x100xf32>
    %dot_general3A_94 = tpu.matmul %broadcast_in_dim3A_50, %select_n3A, %dot_general3A_93 {dimension_numbers = #tpu.dot_dimension_numbers<[0], [0], [1], [1], [0, 1, 1, 1], [], []>, precision = #tpu.contract_precision<fp32>, transpose_lhs_hint = false} : vector<100x1xf32>, vector<100x100xf32>, vector<1x100xf32> -> vector<1x100xf32>
    %dot_general3A_95 = arith.constant dense<0.000000e+00> : vector<50x1xf32>
    %dot_general3A_96 = tpu.matmul %select_n3A_23, %broadcast_in_dim3A_26, %dot_general3A_95 {dimension_numbers = #tpu.dot_dimension_numbers<[1], [0], [0], [1], [0, 0, 1, 1], [], []>, precision = #tpu.contract_precision<fp32>, transpose_lhs_hint = false} : vector<50x100xf32>, vector<100x1xf32>, vector<50x1xf32> -> vector<50x1xf32>
    %dot_general3A_97 = arith.constant dense<0.000000e+00> : vector<1x100xf32>
    %dot_general3A_98 = tpu.matmul %broadcast_in_dim3A_26, %select_n3A, %dot_general3A_97 {dimension_numbers = #tpu.dot_dimension_numbers<[0], [0], [1], [1], [0, 1, 1, 1], [], []>, precision = #tpu.contract_precision<fp32>, transpose_lhs_hint = false} : vector<100x1xf32>, vector<100x100xf32>, vector<1x100xf32> -> vector<1x100xf32>
    %add3A_99 = arith.addf %dot_general3A_82, %dot_general3A_84 : vector<50x100xf32>
    %sub3A = vector.broadcast %dot_general3A_92 : vector<50x1xf32> to vector<50x100xf32>
    %sub3A_100 = arith.subf %add3A_99, %sub3A : vector<50x100xf32>
    %sub3A_101 = vector.broadcast %dot_general3A_94 : vector<1x100xf32> to vector<50x100xf32>
    %sub3A_102 = arith.subf %sub3A_100, %sub3A_101 : vector<50x100xf32>
    %broadcast_in_dim3A_103 = arith.constant 1.000000e+00 : f32
    %broadcast_in_dim3A_104 = vector.broadcast %broadcast_in_dim3A_103 : f32 to vector<100x1xf32>
    %dot_general3A_105 = arith.constant dense<0.000000e+00> : vector<5000x100xf32>
    %dot_general3A_106 = tpu.matmul %get3A_6, %sub3A_102, %dot_general3A_105 {dimension_numbers = #tpu.dot_dimension_numbers<[1], [0], [0], [1], [0, 0, 1, 1], [], []>, precision = #tpu.contract_precision<fp32>, transpose_lhs_hint = false} : vector<5000x50xf32>, vector<50x100xf32>, vector<5000x100xf32> -> vector<5000x100xf32>
    %mul3A_107 = arith.mulf %dot_general3A_106, %get3A_9 : vector<5000x100xf32>
    %dot_general3A_108 = arith.constant dense<0.000000e+00> : vector<5000x1xf32>
    %dot_general3A_109 = tpu.matmul %mul3A_107, %broadcast_in_dim3A_104, %dot_general3A_108 {dimension_numbers = #tpu.dot_dimension_numbers<[1], [0], [0], [1], [0, 0, 1, 1], [], []>, precision = #tpu.contract_precision<fp32>, transpose_lhs_hint = false} : vector<5000x100xf32>, vector<100x1xf32>, vector<5000x1xf32> -> vector<5000x1xf32>
    %get3A_110 = arith.constant 0 : index
    %get3A_111 = arith.constant 0 : index
    %get3A_112 = arith.constant 0 : index
    %get3A_113 = vector.load %arg4[%get3A_110, %get3A_111, %get3A_112] : memref<1x100x128xf32, #tpu.memory_space<vmem>>, vector<1x100x128xf32>
    %get3A_114 = vector.shape_cast %get3A_113 : vector<1x100x128xf32> to vector<100x128xf32>
    %dot_general3A_115 = arith.constant dense<0.000000e+00> : vector<50x128xf32>
    %dot_general3A_116 = tpu.matmul %select_n3A_23, %get3A_114, %dot_general3A_115 {dimension_numbers = #tpu.dot_dimension_numbers<[1], [0], [0], [1], [0, 0, 1, 1], [], []>, precision = #tpu.contract_precision<fp32>, transpose_lhs_hint = false} : vector<50x100xf32>, vector<100x128xf32>, vector<50x128xf32> -> vector<50x128xf32>
    %get3A_117 = arith.constant 0 : index
    %get3A_118 = arith.constant 0 : index
    %get3A_119 = vector.load %arg11[%get3A_117, %get3A_118] : memref<384x128xf32, #tpu.memory_space<vmem>>, vector<128x128xf32>
    %dot_general3A_120 = arith.constant dense<0.000000e+00> : vector<50x128xf32>
    %dot_general3A_121 = tpu.matmul %dot_general3A_116, %get3A_119, %dot_general3A_120 {dimension_numbers = #tpu.dot_dimension_numbers<[1], [0], [0], [1], [0, 0, 1, 1], [], []>, precision = #tpu.contract_precision<fp32>, transpose_lhs_hint = false} : vector<50x128xf32>, vector<128x128xf32>, vector<50x128xf32> -> vector<50x128xf32>
    %dot_general3A_122 = arith.constant dense<0.000000e+00> : vector<5000x128xf32>
    %dot_general3A_123 = tpu.matmul %get3A_6, %dot_general3A_121, %dot_general3A_122 {dimension_numbers = #tpu.dot_dimension_numbers<[1], [0], [0], [1], [0, 0, 1, 1], [], []>, precision = #tpu.contract_precision<fp32>, transpose_lhs_hint = false} : vector<5000x50xf32>, vector<50x128xf32>, vector<5000x128xf32> -> vector<5000x128xf32>
    %get3A_124 = arith.constant 128 : index
    %get3A_125 = arith.constant 0 : index
    %get3A_126 = vector.load %arg11[%get3A_124, %get3A_125] : memref<384x128xf32, #tpu.memory_space<vmem>>, vector<128x128xf32>
    %dot_general3A_127 = arith.constant dense<0.000000e+00> : vector<100x128xf32>
    %dot_general3A_128 = tpu.matmul %get3A_114, %get3A_126, %dot_general3A_127 {dimension_numbers = #tpu.dot_dimension_numbers<[1], [0], [0], [1], [0, 0, 1, 1], [], []>, precision = #tpu.contract_precision<fp32>, transpose_lhs_hint = false} : vector<100x128xf32>, vector<128x128xf32>, vector<100x128xf32> -> vector<100x128xf32>
    %dot_general3A_129 = arith.constant dense<0.000000e+00> : vector<5000x128xf32>
    %dot_general3A_130 = tpu.matmul %get3A_9, %dot_general3A_128, %dot_general3A_129 {dimension_numbers = #tpu.dot_dimension_numbers<[1], [0], [0], [1], [0, 0, 1, 1], [], []>, precision = #tpu.contract_precision<fp32>, transpose_lhs_hint = false} : vector<5000x100xf32>, vector<100x128xf32>, vector<5000x128xf32> -> vector<5000x128xf32>
    %get3A_131 = arith.constant 0 : index
    %get3A_132 = arith.constant 0 : index
    %get3A_133 = arith.constant 0 : index
    %get3A_134 = vector.load %arg2[%get3A_131, %get3A_132, %get3A_133] : memref<1x5000x128xf32, #tpu.memory_space<vmem>>, vector<1x5000x128xf32>
    %get3A_135 = vector.shape_cast %get3A_134 : vector<1x5000x128xf32> to vector<5000x128xf32>
    %get3A_136 = arith.constant 256 : index
    %get3A_137 = arith.constant 0 : index
    %get3A_138 = vector.load %arg11[%get3A_136, %get3A_137] : memref<384x128xf32, #tpu.memory_space<vmem>>, vector<128x128xf32>
    %dot_general3A_139 = arith.constant dense<0.000000e+00> : vector<5000x128xf32>
    %dot_general3A_140 = tpu.matmul %get3A_135, %get3A_138, %dot_general3A_139 {dimension_numbers = #tpu.dot_dimension_numbers<[1], [0], [0], [1], [0, 0, 1, 1], [], []>, precision = #tpu.contract_precision<fp32>, transpose_lhs_hint = false} : vector<5000x128xf32>, vector<128x128xf32>, vector<5000x128xf32> -> vector<5000x128xf32>
    %get3A_141 = arith.constant 0 : index
    %get3A_142 = arith.constant 0 : index
    %get3A_143 = vector.load %arg12[%get3A_141, %get3A_142] : memref<8x128xf32, #tpu.memory_space<vmem>>, vector<1x128xf32>
    %get3A_144 = arith.constant 0 : index
    %get3A_145 = arith.constant 0 : index
    %get3A_146 = arith.constant 0 : index
    %get3A_147 = vector.load %arg3[%get3A_144, %get3A_145, %get3A_146] : memref<1x5000x128xf32, #tpu.memory_space<vmem>>, vector<1x5000x128xf32>
    %get3A_148 = vector.shape_cast %get3A_147 : vector<1x5000x128xf32> to vector<5000x128xf32>
    %add3A_149 = arith.addf %dot_general3A_140, %get3A_148 : vector<5000x128xf32>
    %add3A_150 = arith.addf %add3A_149, %dot_general3A_123 : vector<5000x128xf32>
    %add3A_151 = arith.addf %add3A_150, %dot_general3A_130 : vector<5000x128xf32>
    %mul3A_152 = vector.broadcast %dot_general3A_109 : vector<5000x1xf32> to vector<5000x128xf32>
    %mul3A_153 = vector.broadcast %get3A_143 : vector<1x128xf32> to vector<5000x128xf32>
    %mul3A_154 = arith.mulf %mul3A_152, %mul3A_153 : vector<5000x128xf32>
    %add3A_155 = arith.addf %add3A_151, %mul3A_154 : vector<5000x128xf32>
    %get3A_156 = arith.constant 2 : index
    %get3A_157 = arith.constant 0 : index
    %get3A_158 = vector.load %arg12[%get3A_156, %get3A_157] : memref<8x128xf32, #tpu.memory_space<vmem>>, vector<1x128xf32>
    %add3A_159 = vector.broadcast %get3A_158 : vector<1x128xf32> to vector<5000x128xf32>
    %add3A_160 = arith.addf %add3A_155, %add3A_159 : vector<5000x128xf32>
    %max3A_161 = arith.constant 0.000000e+00 : f32
    %max3A_162 = vector.broadcast %max3A_161 : f32 to vector<5000x128xf32>
    %max3A_163 = arith.maximumf %add3A_160, %max3A_162 : vector<5000x128xf32>
    %get3A_164 = arith.constant 0 : index
    %get3A_165 = arith.constant 0 : index
    %get3A_166 = vector.load %arg14[%get3A_164, %get3A_165] : memref<128x128xf32, #tpu.memory_space<vmem>>, vector<128x128xf32>
    %dot_general3A_167 = arith.constant dense<0.000000e+00> : vector<5000x128xf32>
    %dot_general3A_168 = tpu.matmul %max3A_163, %get3A_166, %dot_general3A_167 {dimension_numbers = #tpu.dot_dimension_numbers<[1], [0], [0], [1], [0, 0, 1, 1], [], []>, precision = #tpu.contract_precision<fp32>, transpose_lhs_hint = false} : vector<5000x128xf32>, vector<128x128xf32>, vector<5000x128xf32> -> vector<5000x128xf32>
    %get3A_169 = arith.constant 3 : index
    %get3A_170 = arith.constant 0 : index
    %get3A_171 = vector.load %arg12[%get3A_169, %get3A_170] : memref<8x128xf32, #tpu.memory_space<vmem>>, vector<1x128xf32>
    %add3A_172 = vector.broadcast %get3A_171 : vector<1x128xf32> to vector<5000x128xf32>
    %add3A_173 = arith.addf %dot_general3A_168, %add3A_172 : vector<5000x128xf32>
    %max3A_174 = arith.constant 0.000000e+00 : f32
    %max3A_175 = vector.broadcast %max3A_174 : f32 to vector<5000x128xf32>
    %max3A_176 = arith.maximumf %add3A_173, %max3A_175 : vector<5000x128xf32>
    %get3A_177 = arith.constant 0 : index
    %get3A_178 = arith.constant 0 : index
    %get3A_179 = vector.load %arg15[%get3A_177, %get3A_178] : memref<128x128xf32, #tpu.memory_space<vmem>>, vector<128x128xf32>
    %dot_general3A_180 = arith.constant dense<0.000000e+00> : vector<5000x128xf32>
    %dot_general3A_181 = tpu.matmul %max3A_176, %get3A_179, %dot_general3A_180 {dimension_numbers = #tpu.dot_dimension_numbers<[1], [0], [0], [1], [0, 0, 1, 1], [], []>, precision = #tpu.contract_precision<fp32>, transpose_lhs_hint = false} : vector<5000x128xf32>, vector<128x128xf32>, vector<5000x128xf32> -> vector<5000x128xf32>
    %get3A_182 = arith.constant 4 : index
    %get3A_183 = arith.constant 0 : index
    %get3A_184 = vector.load %arg12[%get3A_182, %get3A_183] : memref<8x128xf32, #tpu.memory_space<vmem>>, vector<1x128xf32>
    %add3A_185 = vector.broadcast %get3A_184 : vector<1x128xf32> to vector<5000x128xf32>
    %add3A_186 = arith.addf %dot_general3A_181, %add3A_185 : vector<5000x128xf32>
    %max3A_187 = arith.constant 0.000000e+00 : f32
    %max3A_188 = vector.broadcast %max3A_187 : f32 to vector<5000x128xf32>
    %max3A_189 = arith.maximumf %add3A_186, %max3A_188 : vector<5000x128xf32>
    %get3A_190 = arith.constant 0 : index
    %get3A_191 = arith.constant 0 : index
    %get3A_192 = vector.load %arg13[%get3A_190, %get3A_191] : memref<128x1xf32, #tpu.memory_space<vmem>>, vector<128x1xf32>
    %dot_general3A_193 = arith.constant dense<0.000000e+00> : vector<5000x1xf32>
    %dot_general3A_194 = tpu.matmul %max3A_189, %get3A_192, %dot_general3A_193 {dimension_numbers = #tpu.dot_dimension_numbers<[1], [0], [0], [1], [0, 0, 1, 1], [], []>, precision = #tpu.contract_precision<fp32>, transpose_lhs_hint = false} : vector<5000x128xf32>, vector<128x1xf32>, vector<5000x1xf32> -> vector<5000x1xf32>
    %get3A_195 = arith.constant 6 : index
    %get3A_196 = arith.constant 0 : index
    %get3A_197 = vector.load %arg12[%get3A_195, %get3A_196] : memref<8x128xf32, #tpu.memory_space<vmem>>, vector<1x1xf32>
    %add3A_198 = vector.broadcast %get3A_197 : vector<1x1xf32> to vector<5000x1xf32>
    %add3A_199 = arith.addf %dot_general3A_194, %add3A_198 : vector<5000x1xf32>
    %get3A_200 = arith.constant 0 : index
    %get3A_201 = arith.constant 0 : index
    %get3A_202 = vector.load %arg10[%get3A_200, %get3A_201] : memref<50x5000xf32, #tpu.memory_space<vmem>>, vector<50x5000xf32>
    %mul3A_203 = vector.broadcast %add3A_199 : vector<5000x1xf32> to vector<5000x100xf32>
    %mul3A_204 = arith.mulf %mul3A_203, %get3A_9 : vector<5000x100xf32>
    %dot_general3A_205 = arith.constant dense<0.000000e+00> : vector<50x100xf32>
    %dot_general3A_206 = tpu.matmul %get3A_202, %mul3A_204, %dot_general3A_205 {dimension_numbers = #tpu.dot_dimension_numbers<[1], [0], [0], [1], [0, 0, 1, 1], [], []>, precision = #tpu.contract_precision<fp32>, transpose_lhs_hint = false} : vector<50x5000xf32>, vector<5000x100xf32>, vector<50x100xf32> -> vector<50x100xf32>
    %lt3A_207 = vector.broadcast %dot_general3A_88 : vector<50x1xf32> to vector<50x100xf32>
    %lt3A_208 = vector.broadcast %dot_general3A_90 : vector<1x100xf32> to vector<50x100xf32>
    %lt3A_209 = arith.cmpf olt, %lt3A_207, %lt3A_208 : vector<50x100xf32>
    %mul3A_210 = arith.constant 1.000000e+02 : f32
    %mul3A_211 = vector.broadcast %mul3A_210 : f32 to vector<50x1xf32>
    %mul3A_212 = arith.mulf %dot_general3A_88, %mul3A_211 : vector<50x1xf32>
    %add3A_213 = arith.constant 1.000000e+00 : f32
    %add3A_214 = vector.broadcast %add3A_213 : f32 to vector<50x1xf32>
    %add3A_215 = arith.addf %dot_general3A_88, %add3A_214 : vector<50x1xf32>
    %mul3A_216 = arith.mulf %dot_general3A_88, %add3A_215 : vector<50x1xf32>
    %mul3A_217 = arith.constant 5.000000e-01 : f32
    %mul3A_218 = vector.broadcast %mul3A_217 : f32 to vector<50x1xf32>
    %mul3A_219 = arith.mulf %mul3A_216, %mul3A_218 : vector<50x1xf32>
    %sub3A_220 = arith.subf %mul3A_212, %mul3A_219 : vector<50x1xf32>
    %sub3A_221 = vector.broadcast %dot_general3A_90 : vector<1x100xf32> to vector<50x100xf32>
    %sub3A_222 = vector.broadcast %dot_general3A_88 : vector<50x1xf32> to vector<50x100xf32>
    %sub3A_223 = arith.subf %sub3A_221, %sub3A_222 : vector<50x100xf32>
    %sub3A_224 = arith.constant 1.000000e+00 : f32
    %sub3A_225 = vector.broadcast %sub3A_224 : f32 to vector<50x100xf32>
    %sub3A_226 = arith.subf %sub3A_223, %sub3A_225 : vector<50x100xf32>
    %add3A_227 = vector.broadcast %sub3A_220 : vector<50x1xf32> to vector<50x100xf32>
    %add3A_228 = arith.addf %add3A_227, %sub3A_226 : vector<50x100xf32>
    %add3A_229 = arith.addf %dot_general3A_206, %dot_general3A_86 : vector<50x100xf32>
    %jit3A_230 = arith.constant -3.000000e+38 : f32
    %broadcast_in_dim3A_231 = vector.broadcast %jit3A_230 : f32 to vector<50x100xf32>
    %select_n3A_232 = arith.select %lt3A_209, %add3A_229, %broadcast_in_dim3A_231 : vector<50x100xi1>, vector<50x100xf32>
    %reduce_max3A = vector.shape_cast %select_n3A_232 : vector<50x100xf32> to vector<1x50x100xf32>
    %reduce_max3A_233 = arith.constant dense<0xFF800000> : vector<1xf32>
    %reduce_max3A_234 = vector.multi_reduction <maximumf>, %reduce_max3A, %reduce_max3A_233 [1, 2] : vector<1x50x100xf32> to vector<1xf32>
    %reduce_max3A_235 = vector.shape_cast %reduce_max3A_234 : vector<1xf32> to vector<1x1x1xf32>
    %reduce_max3A_236 = vector.extract %reduce_max3A_235[0, 0, 0] : f32 from vector<1x1x1xf32>
    %eq3A_237 = vector.broadcast %reduce_max3A_236 : f32 to vector<50x100xf32>
    %eq3A_238 = arith.cmpf oeq, %select_n3A_232, %eq3A_237 : vector<50x100xf32>
    %and3A = arith.andi %eq3A_238, %lt3A_209 : vector<50x100xi1>
    %jit3A_239 = arith.constant 3.000000e+38 : f32
    %broadcast_in_dim3A_240 = vector.broadcast %jit3A_239 : f32 to vector<50x100xf32>
    %select_n3A_241 = arith.select %and3A, %add3A_228, %broadcast_in_dim3A_240 : vector<50x100xi1>, vector<50x100xf32>
    %reduce_min3A = vector.shape_cast %select_n3A_241 : vector<50x100xf32> to vector<1x50x100xf32>
    %reduce_min3A_242 = arith.constant dense<0x7F800000> : vector<1xf32>
    %reduce_min3A_243 = vector.multi_reduction <minimumf>, %reduce_min3A, %reduce_min3A_242 [1, 2] : vector<1x50x100xf32> to vector<1xf32>
    %reduce_min3A_244 = vector.shape_cast %reduce_min3A_243 : vector<1xf32> to vector<1x1x1xf32>
    %reduce_min3A_245 = vector.extract %reduce_min3A_244[0, 0, 0] : f32 from vector<1x1x1xf32>
    %eq3A_246 = vector.broadcast %reduce_min3A_245 : f32 to vector<50x100xf32>
    %eq3A_247 = arith.cmpf oeq, %add3A_228, %eq3A_246 : vector<50x100xf32>
    %and3A_248 = arith.andi %eq3A_247, %lt3A_209 : vector<50x100xi1>
    %jit3A_249 = arith.constant 1.000000e+00 : f32
    %jit3A_250 = arith.constant 0.000000e+00 : f32
    %broadcast_in_dim3A_251 = vector.broadcast %jit3A_249 : f32 to vector<50x100xf32>
    %broadcast_in_dim3A_252 = vector.broadcast %jit3A_250 : f32 to vector<50x100xf32>
    %select_n3A_253 = arith.select %and3A_248, %broadcast_in_dim3A_251, %broadcast_in_dim3A_252 : vector<50x100xi1>, vector<50x100xf32>
    %mul3A_254 = arith.constant 50 : i32
    %mul3A_255 = arith.muli %arg1, %mul3A_254 : i32
    %add3A_256 = vector.broadcast %mul3A_255 : i32 to vector<50x100xi32>
    %add3A_257 = arith.addi %iota3A_14, %add3A_256 : vector<50x100xi32>
    %convert_element_type3A_258 = arith.sitofp %add3A_257 : vector<50x100xi32> to vector<50x100xf32>
    %convert_element_type3A_259 = arith.sitofp %iota3A_15 : vector<50x100xi32> to vector<50x100xf32>
    %mul3A_260 = arith.mulf %select_n3A_253, %convert_element_type3A_258 : vector<50x100xf32>
    %reduce_sum3A_261 = vector.shape_cast %mul3A_260 : vector<50x100xf32> to vector<1x50x100xf32>
    %reduce_sum3A_262 = arith.constant dense<0.000000e+00> : vector<1xf32>
    %reduce_sum3A_263 = vector.multi_reduction <add>, %reduce_sum3A_261, %reduce_sum3A_262 [1, 2] : vector<1x50x100xf32> to vector<1xf32>
    %reduce_sum3A_264 = vector.shape_cast %reduce_sum3A_263 : vector<1xf32> to vector<1x1x1xf32>
    %reduce_sum3A_265 = vector.extract %reduce_sum3A_264[0, 0, 0] : f32 from vector<1x1x1xf32>
    %mul3A_266 = arith.mulf %select_n3A_253, %convert_element_type3A_259 : vector<50x100xf32>
    %reduce_sum3A_267 = vector.shape_cast %mul3A_266 : vector<50x100xf32> to vector<1x50x100xf32>
    %reduce_sum3A_268 = arith.constant dense<0.000000e+00> : vector<1xf32>
    %reduce_sum3A_269 = vector.multi_reduction <add>, %reduce_sum3A_267, %reduce_sum3A_268 [1, 2] : vector<1x50x100xf32> to vector<1xf32>
    %reduce_sum3A_270 = vector.shape_cast %reduce_sum3A_269 : vector<1xf32> to vector<1x1x1xf32>
    %reduce_sum3A_271 = vector.extract %reduce_sum3A_270[0, 0, 0] : f32 from vector<1x1x1xf32>
    %mul3A_272 = vector.broadcast %dot_general3A_96 : vector<50x1xf32> to vector<50x100xf32>
    %mul3A_273 = arith.mulf %select_n3A_253, %mul3A_272 : vector<50x100xf32>
    %reduce_sum3A_274 = vector.shape_cast %mul3A_273 : vector<50x100xf32> to vector<1x50x100xf32>
    %reduce_sum3A_275 = arith.constant dense<0.000000e+00> : vector<1xf32>
    %reduce_sum3A_276 = vector.multi_reduction <add>, %reduce_sum3A_274, %reduce_sum3A_275 [1, 2] : vector<1x50x100xf32> to vector<1xf32>
    %reduce_sum3A_277 = vector.shape_cast %reduce_sum3A_276 : vector<1xf32> to vector<1x1x1xf32>
    %reduce_sum3A_278 = vector.extract %reduce_sum3A_277[0, 0, 0] : f32 from vector<1x1x1xf32>
    %mul3A_279 = vector.broadcast %dot_general3A_98 : vector<1x100xf32> to vector<50x100xf32>
    %mul3A_280 = arith.mulf %select_n3A_253, %mul3A_279 : vector<50x100xf32>
    %reduce_sum3A_281 = vector.shape_cast %mul3A_280 : vector<50x100xf32> to vector<1x50x100xf32>
    %reduce_sum3A_282 = arith.constant dense<0.000000e+00> : vector<1xf32>
    %reduce_sum3A_283 = vector.multi_reduction <add>, %reduce_sum3A_281, %reduce_sum3A_282 [1, 2] : vector<1x50x100xf32> to vector<1xf32>
    %reduce_sum3A_284 = vector.shape_cast %reduce_sum3A_283 : vector<1xf32> to vector<1x1x1xf32>
    %reduce_sum3A_285 = vector.extract %reduce_sum3A_284[0, 0, 0] : f32 from vector<1x1x1xf32>
    %mul3A_286 = arith.mulf %select_n3A_253, %dot_general3A_206 : vector<50x100xf32>
    %reduce_sum3A_287 = vector.shape_cast %mul3A_286 : vector<50x100xf32> to vector<1x50x100xf32>
    %reduce_sum3A_288 = arith.constant dense<0.000000e+00> : vector<1xf32>
    %reduce_sum3A_289 = vector.multi_reduction <add>, %reduce_sum3A_287, %reduce_sum3A_288 [1, 2] : vector<1x50x100xf32> to vector<1xf32>
    %reduce_sum3A_290 = vector.shape_cast %reduce_sum3A_289 : vector<1xf32> to vector<1x1x1xf32>
    %reduce_sum3A_291 = vector.extract %reduce_sum3A_290[0, 0, 0] : f32 from vector<1x1x1xf32>
    %jit3A_292 = arith.constant -3.000000e+38 : f32
    %broadcast_in_dim3A_293 = vector.broadcast %jit3A_292 : f32 to vector<50x100xf32>
    %select_n3A_294 = arith.select %lt3A_209, %dot_general3A_206, %broadcast_in_dim3A_293 : vector<50x100xi1>, vector<50x100xf32>
    %reduce_max3A_295 = vector.shape_cast %select_n3A_294 : vector<50x100xf32> to vector<1x50x100xf32>
    %reduce_max3A_296 = arith.constant dense<0xFF800000> : vector<1xf32>
    %reduce_max3A_297 = vector.multi_reduction <maximumf>, %reduce_max3A_295, %reduce_max3A_296 [1, 2] : vector<1x50x100xf32> to vector<1xf32>
    %reduce_max3A_298 = vector.shape_cast %reduce_max3A_297 : vector<1xf32> to vector<1x1x1xf32>
    %reduce_max3A_299 = vector.extract %reduce_max3A_298[0, 0, 0] : f32 from vector<1x1x1xf32>
    %sub3A_300 = vector.broadcast %reduce_max3A_299 : f32 to vector<50x100xf32>
    %sub3A_301 = arith.subf %dot_general3A_206, %sub3A_300 : vector<50x100xf32>
    %exp3A = math.exp %sub3A_301 : vector<50x100xf32>
    %jit3A_302 = arith.constant 0.000000e+00 : f32
    %broadcast_in_dim3A_303 = vector.broadcast %jit3A_302 : f32 to vector<50x100xf32>
    %select_n3A_304 = arith.select %lt3A_209, %exp3A, %broadcast_in_dim3A_303 : vector<50x100xi1>, vector<50x100xf32>
    %reduce_sum3A_305 = vector.shape_cast %select_n3A_304 : vector<50x100xf32> to vector<1x50x100xf32>
    %reduce_sum3A_306 = arith.constant dense<0.000000e+00> : vector<1xf32>
    %reduce_sum3A_307 = vector.multi_reduction <add>, %reduce_sum3A_305, %reduce_sum3A_306 [1, 2] : vector<1x50x100xf32> to vector<1xf32>
    %reduce_sum3A_308 = vector.shape_cast %reduce_sum3A_307 : vector<1xf32> to vector<1x1x1xf32>
    %reduce_sum3A_309 = vector.extract %reduce_sum3A_308[0, 0, 0] : f32 from vector<1x1x1xf32>
    %eq3A_310 = arith.constant 0 : i32
    %eq3A_311 = arith.cmpi eq, %arg1, %eq3A_310 : i32
    %convert_element_type3A_312 = arith.extui %eq3A_311 : i1 to i32
    %cond3A = arith.constant -3.000000e+38 : f32
    %cond3A_313 = arith.constant 0 : i32
    %cond3A_314 = arith.cmpi ne, %convert_element_type3A_312, %cond3A_313 : i32
    scf.if %cond3A_314 {
      %iota3A_457 = tpu.iota {dimensions = array<i32: 0>} : vector<16x128xi32>
      %eq3A_458 = arith.constant 0 : i32
      %eq3A_459 = vector.broadcast %eq3A_458 : i32 to vector<16x128xi32>
      %eq3A_460 = arith.cmpi eq, %iota3A_457, %eq3A_459 : vector<16x128xi32>
      %jit3A_461 = arith.constant 0.000000e+00 : f32
      %broadcast_in_dim3A_462 = vector.broadcast %cond3A : f32 to vector<16x128xf32>
      %broadcast_in_dim3A_463 = vector.broadcast %jit3A_461 : f32 to vector<16x128xf32>
      %select_n3A_464 = arith.select %eq3A_460, %broadcast_in_dim3A_462, %broadcast_in_dim3A_463 : vector<16x128xi1>, vector<16x128xf32>
      %eq3A_465 = arith.constant 1 : i32
      %eq3A_466 = vector.broadcast %eq3A_465 : i32 to vector<16x128xi32>
      %eq3A_467 = arith.cmpi eq, %iota3A_457, %eq3A_466 : vector<16x128xi32>
      %jit3A_468 = arith.constant 3.000000e+38 : f32
      %jit3A_469 = arith.constant 0.000000e+00 : f32
      %broadcast_in_dim3A_470 = vector.broadcast %jit3A_468 : f32 to vector<16x128xf32>
      %broadcast_in_dim3A_471 = vector.broadcast %jit3A_469 : f32 to vector<16x128xf32>
      %select_n3A_472 = arith.select %eq3A_467, %broadcast_in_dim3A_470, %broadcast_in_dim3A_471 : vector<16x128xi1>, vector<16x128xf32>
      %add3A_473 = arith.addf %select_n3A_464, %select_n3A_472 : vector<16x128xf32>
      %eq3A_474 = arith.constant 7 : i32
      %eq3A_475 = vector.broadcast %eq3A_474 : i32 to vector<16x128xi32>
      %eq3A_476 = arith.cmpi eq, %iota3A_457, %eq3A_475 : vector<16x128xi32>
      %jit3A_477 = arith.constant 0.000000e+00 : f32
      %broadcast_in_dim3A_478 = vector.broadcast %cond3A : f32 to vector<16x128xf32>
      %broadcast_in_dim3A_479 = vector.broadcast %jit3A_477 : f32 to vector<16x128xf32>
      %select_n3A_480 = arith.select %eq3A_476, %broadcast_in_dim3A_478, %broadcast_in_dim3A_479 : vector<16x128xi1>, vector<16x128xf32>
      %add3A_481 = arith.addf %add3A_473, %select_n3A_480 : vector<16x128xf32>
      %swap3A_482 = arith.constant 0 : index
      %swap3A_483 = arith.constant 0 : index
      %swap3A_484 = arith.constant 0 : index
      %swap3A_485 = vector.load %arg16[%swap3A_482, %swap3A_483, %swap3A_484] : memref<1x16x128xf32, #tpu.memory_space<vmem>>, vector<1x16x128xf32>
      %swap3A_486 = vector.shape_cast %swap3A_485 : vector<1x16x128xf32> to vector<16x128xf32>
      %swap3A_487 = vector.shape_cast %add3A_481 : vector<16x128xf32> to vector<1x16x128xf32>
      tpu.vector_store %arg16[%swap3A_482, %swap3A_483, %swap3A_484], %swap3A_487 {strides = array<i32>} : memref<1x16x128xf32, #tpu.memory_space<vmem>>, vector<1x16x128xf32>,
    } else {
    }
    %get3A_315 = arith.constant 0 : index
    %get3A_316 = arith.constant 0 : index
    %get3A_317 = arith.constant 0 : index
    %get3A_318 = vector.load %arg16[%get3A_315, %get3A_316, %get3A_317] : memref<1x16x128xf32, #tpu.memory_space<vmem>>, vector<1x16x128xf32>
    %get3A_319 = vector.shape_cast %get3A_318 : vector<1x16x128xf32> to vector<16x128xf32>
    %slice3A_320 = vector.extract_strided_slice %get3A_319 {offsets = [0, 0], sizes = [1, 1], strides = [1, 1]} : vector<16x128xf32> to vector<1x1xf32>
    %slice3A_321 = vector.extract_strided_slice %get3A_319 {offsets = [1, 0], sizes = [1, 1], strides = [1, 1]} : vector<16x128xf32> to vector<1x1xf32>
    %slice3A_322 = vector.extract_strided_slice %get3A_319 {offsets = [2, 0], sizes = [1, 1], strides = [1, 1]} : vector<16x128xf32> to vector<1x1xf32>
    %slice3A_323 = vector.extract_strided_slice %get3A_319 {offsets = [3, 0], sizes = [1, 1], strides = [1, 1]} : vector<16x128xf32> to vector<1x1xf32>
    %slice3A_324 = vector.extract_strided_slice %get3A_319 {offsets = [4, 0], sizes = [1, 1], strides = [1, 1]} : vector<16x128xf32> to vector<1x1xf32>
    %slice3A_325 = vector.extract_strided_slice %get3A_319 {offsets = [5, 0], sizes = [1, 1], strides = [1, 1]} : vector<16x128xf32> to vector<1x1xf32>
    %slice3A_326 = vector.extract_strided_slice %get3A_319 {offsets = [6, 0], sizes = [1, 1], strides = [1, 1]} : vector<16x128xf32> to vector<1x1xf32>
    %slice3A_327 = vector.extract_strided_slice %get3A_319 {offsets = [7, 0], sizes = [1, 1], strides = [1, 1]} : vector<16x128xf32> to vector<1x1xf32>
    %slice3A_328 = vector.extract_strided_slice %get3A_319 {offsets = [8, 0], sizes = [1, 1], strides = [1, 1]} : vector<16x128xf32> to vector<1x1xf32>
    %gt3A = vector.broadcast %reduce_max3A_236 : f32 to vector<1x1xf32>
    %gt3A_329 = arith.cmpf ogt, %gt3A, %slice3A_320 : vector<1x1xf32>
    %eq3A_330 = vector.broadcast %reduce_max3A_236 : f32 to vector<1x1xf32>
    %eq3A_331 = arith.cmpf oeq, %eq3A_330, %slice3A_320 : vector<1x1xf32>
    %lt3A_332 = vector.broadcast %reduce_min3A_245 : f32 to vector<1x1xf32>
    %lt3A_333 = arith.cmpf olt, %lt3A_332, %slice3A_321 : vector<1x1xf32>
    %and3A_334 = arith.andi %eq3A_331, %lt3A_333 : vector<1x1xi1>
    %or3A = arith.ori %gt3A_329, %and3A_334 : vector<1x1xi1>
    %broadcast_in_dim3A_335 = vector.broadcast %reduce_max3A_236 : f32 to vector<1x1xf32>
    %select_n3A_336 = arith.select %or3A, %broadcast_in_dim3A_335, %slice3A_320 : vector<1x1xi1>, vector<1x1xf32>
    %broadcast_in_dim3A_337 = vector.broadcast %reduce_min3A_245 : f32 to vector<1x1xf32>
    %select_n3A_338 = arith.select %or3A, %broadcast_in_dim3A_337, %slice3A_321 : vector<1x1xi1>, vector<1x1xf32>
    %broadcast_in_dim3A_339 = vector.broadcast %reduce_sum3A_265 : f32 to vector<1x1xf32>
    %select_n3A_340 = arith.select %or3A, %broadcast_in_dim3A_339, %slice3A_322 : vector<1x1xi1>, vector<1x1xf32>
    %broadcast_in_dim3A_341 = vector.broadcast %reduce_sum3A_271 : f32 to vector<1x1xf32>
    %select_n3A_342 = arith.select %or3A, %broadcast_in_dim3A_341, %slice3A_323 : vector<1x1xi1>, vector<1x1xf32>
    %broadcast_in_dim3A_343 = vector.broadcast %reduce_sum3A_278 : f32 to vector<1x1xf32>
    %select_n3A_344 = arith.select %or3A, %broadcast_in_dim3A_343, %slice3A_324 : vector<1x1xi1>, vector<1x1xf32>
    %broadcast_in_dim3A_345 = vector.broadcast %reduce_sum3A_285 : f32 to vector<1x1xf32>
    %select_n3A_346 = arith.select %or3A, %broadcast_in_dim3A_345, %slice3A_325 : vector<1x1xi1>, vector<1x1xf32>
    %broadcast_in_dim3A_347 = vector.broadcast %reduce_sum3A_291 : f32 to vector<1x1xf32>
    %select_n3A_348 = arith.select %or3A, %broadcast_in_dim3A_347, %slice3A_326 : vector<1x1xi1>, vector<1x1xf32>
    %max3A_349 = vector.broadcast %reduce_max3A_299 : f32 to vector<1x1xf32>
    %max3A_350 = arith.maximumf %slice3A_327, %max3A_349 : vector<1x1xf32>
    %sub3A_351 = arith.subf %slice3A_327, %max3A_350 : vector<1x1xf32>
    %exp3A_352 = math.exp %sub3A_351 : vector<1x1xf32>
    %mul3A_353 = arith.mulf %slice3A_328, %exp3A_352 : vector<1x1xf32>
    %sub3A_354 = vector.broadcast %reduce_max3A_299 : f32 to vector<1x1xf32>
    %sub3A_355 = arith.subf %sub3A_354, %max3A_350 : vector<1x1xf32>
    %exp3A_356 = math.exp %sub3A_355 : vector<1x1xf32>
    %mul3A_357 = vector.broadcast %reduce_sum3A_309 : f32 to vector<1x1xf32>
    %mul3A_358 = arith.mulf %mul3A_357, %exp3A_356 : vector<1x1xf32>
    %add3A_359 = arith.addf %mul3A_353, %mul3A_358 : vector<1x1xf32>
    %log3A = math.log %add3A_359 : vector<1x1xf32>
    %add3A_360 = arith.addf %max3A_350, %log3A : vector<1x1xf32>
    %sub3A_361 = arith.subf %select_n3A_348, %add3A_360 : vector<1x1xf32>
    %iota3A_362 = tpu.iota {dimensions = array<i32: 0>} : vector<16x128xi32>
    %eq3A_363 = arith.constant 0 : i32
    %eq3A_364 = vector.broadcast %eq3A_363 : i32 to vector<16x128xi32>
    %eq3A_365 = arith.cmpi eq, %iota3A_362, %eq3A_364 : vector<16x128xi32>
    %jit3A_366 = arith.constant 0.000000e+00 : f32
    %broadcast_in_dim3A_367 = vector.shape_cast %select_n3A_336 : vector<1x1xf32> to vector<1x1xf32>
    %broadcast_in_dim3A_368 = vector.broadcast %broadcast_in_dim3A_367 : vector<1x1xf32> to vector<16x128xf32>
    %broadcast_in_dim3A_369 = vector.broadcast %jit3A_366 : f32 to vector<16x128xf32>
    %select_n3A_370 = arith.select %eq3A_365, %broadcast_in_dim3A_368, %broadcast_in_dim3A_369 : vector<16x128xi1>, vector<16x128xf32>
    %eq3A_371 = arith.constant 1 : i32
    %eq3A_372 = vector.broadcast %eq3A_371 : i32 to vector<16x128xi32>
    %eq3A_373 = arith.cmpi eq, %iota3A_362, %eq3A_372 : vector<16x128xi32>
    %jit3A_374 = arith.constant 0.000000e+00 : f32
    %broadcast_in_dim3A_375 = vector.shape_cast %select_n3A_338 : vector<1x1xf32> to vector<1x1xf32>
    %broadcast_in_dim3A_376 = vector.broadcast %broadcast_in_dim3A_375 : vector<1x1xf32> to vector<16x128xf32>
    %broadcast_in_dim3A_377 = vector.broadcast %jit3A_374 : f32 to vector<16x128xf32>
    %select_n3A_378 = arith.select %eq3A_373, %broadcast_in_dim3A_376, %broadcast_in_dim3A_377 : vector<16x128xi1>, vector<16x128xf32>
    %add3A_379 = arith.addf %select_n3A_370, %select_n3A_378 : vector<16x128xf32>
    %eq3A_380 = arith.constant 2 : i32
    %eq3A_381 = vector.broadcast %eq3A_380 : i32 to vector<16x128xi32>
    %eq3A_382 = arith.cmpi eq, %iota3A_362, %eq3A_381 : vector<16x128xi32>
    %jit3A_383 = arith.constant 0.000000e+00 : f32
    %broadcast_in_dim3A_384 = vector.shape_cast %select_n3A_340 : vector<1x1xf32> to vector<1x1xf32>
    %broadcast_in_dim3A_385 = vector.broadcast %broadcast_in_dim3A_384 : vector<1x1xf32> to vector<16x128xf32>
    %broadcast_in_dim3A_386 = vector.broadcast %jit3A_383 : f32 to vector<16x128xf32>
    %select_n3A_387 = arith.select %eq3A_382, %broadcast_in_dim3A_385, %broadcast_in_dim3A_386 : vector<16x128xi1>, vector<16x128xf32>
    %add3A_388 = arith.addf %add3A_379, %select_n3A_387 : vector<16x128xf32>
    %eq3A_389 = arith.constant 3 : i32
    %eq3A_390 = vector.broadcast %eq3A_389 : i32 to vector<16x128xi32>
    %eq3A_391 = arith.cmpi eq, %iota3A_362, %eq3A_390 : vector<16x128xi32>
    %jit3A_392 = arith.constant 0.000000e+00 : f32
    %broadcast_in_dim3A_393 = vector.shape_cast %select_n3A_342 : vector<1x1xf32> to vector<1x1xf32>
    %broadcast_in_dim3A_394 = vector.broadcast %broadcast_in_dim3A_393 : vector<1x1xf32> to vector<16x128xf32>
    %broadcast_in_dim3A_395 = vector.broadcast %jit3A_392 : f32 to vector<16x128xf32>
    %select_n3A_396 = arith.select %eq3A_391, %broadcast_in_dim3A_394, %broadcast_in_dim3A_395 : vector<16x128xi1>, vector<16x128xf32>
    %add3A_397 = arith.addf %add3A_388, %select_n3A_396 : vector<16x128xf32>
    %eq3A_398 = arith.constant 4 : i32
    %eq3A_399 = vector.broadcast %eq3A_398 : i32 to vector<16x128xi32>
    %eq3A_400 = arith.cmpi eq, %iota3A_362, %eq3A_399 : vector<16x128xi32>
    %jit3A_401 = arith.constant 0.000000e+00 : f32
    %broadcast_in_dim3A_402 = vector.shape_cast %select_n3A_344 : vector<1x1xf32> to vector<1x1xf32>
    %broadcast_in_dim3A_403 = vector.broadcast %broadcast_in_dim3A_402 : vector<1x1xf32> to vector<16x128xf32>
    %broadcast_in_dim3A_404 = vector.broadcast %jit3A_401 : f32 to vector<16x128xf32>
    %select_n3A_405 = arith.select %eq3A_400, %broadcast_in_dim3A_403, %broadcast_in_dim3A_404 : vector<16x128xi1>, vector<16x128xf32>
    %add3A_406 = arith.addf %add3A_397, %select_n3A_405 : vector<16x128xf32>
    %eq3A_407 = arith.constant 5 : i32
    %eq3A_408 = vector.broadcast %eq3A_407 : i32 to vector<16x128xi32>
    %eq3A_409 = arith.cmpi eq, %iota3A_362, %eq3A_408 : vector<16x128xi32>
    %jit3A_410 = arith.constant 0.000000e+00 : f32
    %broadcast_in_dim3A_411 = vector.shape_cast %select_n3A_346 : vector<1x1xf32> to vector<1x1xf32>
    %broadcast_in_dim3A_412 = vector.broadcast %broadcast_in_dim3A_411 : vector<1x1xf32> to vector<16x128xf32>
    %broadcast_in_dim3A_413 = vector.broadcast %jit3A_410 : f32 to vector<16x128xf32>
    %select_n3A_414 = arith.select %eq3A_409, %broadcast_in_dim3A_412, %broadcast_in_dim3A_413 : vector<16x128xi1>, vector<16x128xf32>
    %add3A_415 = arith.addf %add3A_406, %select_n3A_414 : vector<16x128xf32>
    %eq3A_416 = arith.constant 6 : i32
    %eq3A_417 = vector.broadcast %eq3A_416 : i32 to vector<16x128xi32>
    %eq3A_418 = arith.cmpi eq, %iota3A_362, %eq3A_417 : vector<16x128xi32>
    %jit3A_419 = arith.constant 0.000000e+00 : f32
    %broadcast_in_dim3A_420 = vector.shape_cast %select_n3A_348 : vector<1x1xf32> to vector<1x1xf32>
    %broadcast_in_dim3A_421 = vector.broadcast %broadcast_in_dim3A_420 : vector<1x1xf32> to vector<16x128xf32>
    %broadcast_in_dim3A_422 = vector.broadcast %jit3A_419 : f32 to vector<16x128xf32>
    %select_n3A_423 = arith.select %eq3A_418, %broadcast_in_dim3A_421, %broadcast_in_dim3A_422 : vector<16x128xi1>, vector<16x128xf32>
    %add3A_424 = arith.addf %add3A_415, %select_n3A_423 : vector<16x128xf32>
    %eq3A_425 = arith.constant 7 : i32
    %eq3A_426 = vector.broadcast %eq3A_425 : i32 to vector<16x128xi32>
    %eq3A_427 = arith.cmpi eq, %iota3A_362, %eq3A_426 : vector<16x128xi32>
    %jit3A_428 = arith.constant 0.000000e+00 : f32
    %broadcast_in_dim3A_429 = vector.shape_cast %max3A_350 : vector<1x1xf32> to vector<1x1xf32>
    %broadcast_in_dim3A_430 = vector.broadcast %broadcast_in_dim3A_429 : vector<1x1xf32> to vector<16x128xf32>
    %broadcast_in_dim3A_431 = vector.broadcast %jit3A_428 : f32 to vector<16x128xf32>
    %select_n3A_432 = arith.select %eq3A_427, %broadcast_in_dim3A_430, %broadcast_in_dim3A_431 : vector<16x128xi1>, vector<16x128xf32>
    %add3A_433 = arith.addf %add3A_424, %select_n3A_432 : vector<16x128xf32>
    %eq3A_434 = arith.constant 8 : i32
    %eq3A_435 = vector.broadcast %eq3A_434 : i32 to vector<16x128xi32>
    %eq3A_436 = arith.cmpi eq, %iota3A_362, %eq3A_435 : vector<16x128xi32>
    %jit3A_437 = arith.constant 0.000000e+00 : f32
    %broadcast_in_dim3A_438 = vector.shape_cast %add3A_359 : vector<1x1xf32> to vector<1x1xf32>
    %broadcast_in_dim3A_439 = vector.broadcast %broadcast_in_dim3A_438 : vector<1x1xf32> to vector<16x128xf32>
    %broadcast_in_dim3A_440 = vector.broadcast %jit3A_437 : f32 to vector<16x128xf32>
    %select_n3A_441 = arith.select %eq3A_436, %broadcast_in_dim3A_439, %broadcast_in_dim3A_440 : vector<16x128xi1>, vector<16x128xf32>
    %add3A_442 = arith.addf %add3A_433, %select_n3A_441 : vector<16x128xf32>
    %eq3A_443 = arith.constant 9 : i32
    %eq3A_444 = vector.broadcast %eq3A_443 : i32 to vector<16x128xi32>
    %eq3A_445 = arith.cmpi eq, %iota3A_362, %eq3A_444 : vector<16x128xi32>
    %jit3A_446 = arith.constant 0.000000e+00 : f32
    %broadcast_in_dim3A_447 = vector.shape_cast %sub3A_361 : vector<1x1xf32> to vector<1x1xf32>
    %broadcast_in_dim3A_448 = vector.broadcast %broadcast_in_dim3A_447 : vector<1x1xf32> to vector<16x128xf32>
    %broadcast_in_dim3A_449 = vector.broadcast %jit3A_446 : f32 to vector<16x128xf32>
    %select_n3A_450 = arith.select %eq3A_445, %broadcast_in_dim3A_448, %broadcast_in_dim3A_449 : vector<16x128xi1>, vector<16x128xf32>
    %add3A_451 = arith.addf %add3A_442, %select_n3A_450 : vector<16x128xf32>
    %swap3A = arith.constant 0 : index
    %swap3A_452 = arith.constant 0 : index
    %swap3A_453 = arith.constant 0 : index
    %swap3A_454 = vector.load %arg16[%swap3A, %swap3A_452, %swap3A_453] : memref<1x16x128xf32, #tpu.memory_space<vmem>>, vector<1x16x128xf32>
    %swap3A_455 = vector.shape_cast %swap3A_454 : vector<1x16x128xf32> to vector<16x128xf32>
    %swap3A_456 = vector.shape_cast %add3A_451 : vector<16x128xf32> to vector<1x16x128xf32>
    tpu.vector_store %arg16[%swap3A, %swap3A_452, %swap3A_453], %swap3A_456 {strides = array<i32>} : memref<1x16x128xf32, #tpu.memory_space<vmem>>, vector<1x16x128xf32>,
    return
  }
  func.func @transform_0(%arg0: i32, %arg1: i32) -> (i32, i32, i32) {
    %c0_i32 = arith.constant 0 : i32
    %c0_i32_0 = arith.constant 0 : i32
    return %arg0, %arg1, %c0_i32 : i32, i32, i32
  }
  func.func @transform_1(%arg0: i32, %arg1: i32) -> (i32, i32, i32) {
    %c0_i32 = arith.constant 0 : i32
    %c0_i32_0 = arith.constant 0 : i32
    return %arg0, %arg1, %c0_i32 : i32, i32, i32
  }
  func.func @transform_2(%arg0: i32, %arg1: i32) -> (i32, i32, i32) {
    %c0_i32 = arith.constant 0 : i32
    %c0_i32_0 = arith.constant 0 : i32
    %c0_i32_1 = arith.constant 0 : i32
    return %arg0, %c0_i32, %c0_i32_0 : i32, i32, i32
  }
  func.func @transform_3(%arg0: i32, %arg1: i32) -> (i32, i32, i32) {
    %c0_i32 = arith.constant 0 : i32
    %c0_i32_0 = arith.constant 0 : i32
    %c0_i32_1 = arith.constant 0 : i32
    return %arg0, %c0_i32, %c0_i32_0 : i32, i32, i32
  }
  func.func @transform_4(%arg0: i32, %arg1: i32) -> (i32, i32, i32) {
    %c0_i32 = arith.constant 0 : i32
    %c0_i32_0 = arith.constant 0 : i32
    %c0_i32_1 = arith.constant 0 : i32
    return %arg0, %c0_i32, %c0_i32_0 : i32, i32, i32
  }
  func.func @transform_5(%arg0: i32, %arg1: i32) -> (i32, i32, i32) {
    %c0_i32 = arith.constant 0 : i32
    %c0_i32_0 = arith.constant 0 : i32
    %c0_i32_1 = arith.constant 0 : i32
    return %arg0, %c0_i32, %c0_i32_0 : i32, i32, i32
  }
  func.func @transform_6(%arg0: i32, %arg1: i32) -> (i32, i32) {
    %c0_i32 = arith.constant 0 : i32
    %c0_i32_0 = arith.constant 0 : i32
    %c0_i32_1 = arith.constant 0 : i32
    return %c0_i32, %c0_i32_0 : i32, i32
  }
  func.func @transform_7(%arg0: i32, %arg1: i32) -> (i32, i32) {
    %c0_i32 = arith.constant 0 : i32
    %c0_i32_0 = arith.constant 0 : i32
    %c0_i32_1 = arith.constant 0 : i32
    return %c0_i32, %c0_i32_0 : i32, i32
  }
  func.func @transform_8(%arg0: i32, %arg1: i32) -> (i32, i32) {
    %c0_i32 = arith.constant 0 : i32
    %c0_i32_0 = arith.constant 0 : i32
    %c0_i32_1 = arith.constant 0 : i32
    return %c0_i32, %c0_i32_0 : i32, i32
  }
  func.func @transform_9(%arg0: i32, %arg1: i32) -> (i32, i32) {
    %c0_i32 = arith.constant 0 : i32
    %c0_i32_0 = arith.constant 0 : i32
    %c0_i32_1 = arith.constant 0 : i32
    return %c0_i32, %c0_i32_0 : i32, i32
  }
  func.func @transform_10(%arg0: i32, %arg1: i32) -> (i32, i32) {
    %c0_i32 = arith.constant 0 : i32
    %c0_i32_0 = arith.constant 0 : i32
    %c0_i32_1 = arith.constant 0 : i32
    return %c0_i32, %c0_i32_0 : i32, i32
  }
  func.func @transform_11(%arg0: i32, %arg1: i32) -> (i32, i32) {
    %c0_i32 = arith.constant 0 : i32
    %c0_i32_0 = arith.constant 0 : i32
    %c0_i32_1 = arith.constant 0 : i32
    return %c0_i32, %c0_i32_0 : i32, i32
  }
  func.func @transform_12(%arg0: i32, %arg1: i32) -> (i32, i32) {
    %c0_i32 = arith.constant 0 : i32
    %c0_i32_0 = arith.constant 0 : i32
    %c0_i32_1 = arith.constant 0 : i32
    return %c0_i32, %c0_i32_0 : i32, i32
  }
  func.func @transform_13(%arg0: i32, %arg1: i32) -> (i32, i32) {
    %c0_i32 = arith.constant 0 : i32
    %c0_i32_0 = arith.constant 0 : i32
    %c0_i32_1 = arith.constant 0 : i32
    return %c0_i32, %c0_i32_0 : i32, i32
  }
  func.func @transform_14(%arg0: i32, %arg1: i32) -> (i32, i32, i32) {
    %c0_i32 = arith.constant 0 : i32
    %c0_i32_0 = arith.constant 0 : i32
    %c0_i32_1 = arith.constant 0 : i32
    return %arg0, %c0_i32, %c0_i32_0 : i32, i32, i32
  }
}

</mosaic_0001>

<sc_bundles>
// kernel: kernel.11.cloned.1.call-start
scs
__scs_entry_jumppad:
0x0: {  	(pc) =	sbr.rel $0x88, $3  }
0x1: {  	(tag) =	ssettag $0x0;
	lr =	simm.s32 $0x1  }
0x2: {  	[smem:$0x3F7C] =	sst lr;
	_ =	strace $0xD0000000  }
0x3: {  	_ = 	snop  }
0x4: {  	_ = 	snop  }
0x5: {  	_ = 	snop  }
0x6: {  	_ = 	snop  }
0x7: {  	_ = 	snop  }
__scs_overlays_trampoline_lowered:
0x8: {  	[smem:$0x3F8B] =	sst s0  }
0x9: {  	[smem:$0x3F8C] =	sst s1  }
0xa: {  	[smem:$0x3F8D] =	sst s2  }
0xb: {  	[smem:$0x3F8E] =	sst s3  }
0xc: {  	[smem:$0x3F8F] =	sst s4  }
0xd: {  	[smem:$0x3F90] =	sst s5  }
0xe: {  	[smem:$0x3F91] =	sst s6  }
0xf: {  	[smem:$0x3F92] =	sst s7  }
0x10: {  	[smem:$0x3F93] =	sst s8  }
0x11: {  	[smem:$0x3F94] =	sst s9;
	s0 =	simm.s32 @!p0 $0x0  }
0x12: {  	s1 =	sld [smem:$0x3F7A];
	s0 =	simm.s32 @p0 $0x1  }
0x13: {  	[smem:$0x3F95] =	sst s0;
	s0 =	simm.s32 @!p1 $0x0  }
0x14: {  	s2 =	sld [smem:$0x3F79];
	s0 =	simm.s32 @p1 $0x1  }
0x15: {  	[smem:$0x3F96] =	sst s0;
	s0 =	simm.s32 @!p2 $0x0  }
0x16: {  	s3 =	sld [smem:$0x3FDB];
	s0 =	simm.s32 @p2 $0x1  }
0x17: {  	s4 =	simm.s32 $0x1BF5;
	[smem:$0x3F98] =	sst s0  }
0x18: {  	s0 =	sld [smem:$0x3F7B];
	_ =	swait.ge [sflag:s4], $0x0  }
0x19: {  	s7 =	sld [smem:$0x3F7C]  }
0x1a: {  	s8 =	sadd.s32 $0xFFFFE003, lr  }
0x1b: {  	s9 =	sadd.s32 $0xFFFFFEF7, lr;
	s5 =	simm.s32 $0xFFFFFFFF;
	p2 =	slt.u32 s8, $0xFFFFF086  }
0x1c: {  	p1 =	slt.u32 s9, $0xF7A;
	s5 =	simm.s32 @!p2 $0x0  }
0x1d: {  	s5 =	simm.s32 @p1 $0x1;
	p0 =	seq.s32 s7, s2  }
0x1e: {  	s7 =	smul.u32 @!p0 $0xF7A, s2;
	p2 =	seq.s32 @!p0 s5, $0x0  }
0x1f: {  	s9 =	smul.u32 $0xF7A, s1;
	s8 =	simm.s32 @!p0 $0x1BF5;
	p2 =	por !p2, p0  }
0x20: {  	[sflag:s8] =	ssyncset.s32 @!p0 $0xFFFFF086;
	s6 =	sadd.s32 @!p0 s3, s7;
	s7 =	simm.s32 @!p0 $0x108  }
0x21: {  	s3 =	sadd.s32 s3, s9;
	s6 =	sadd.s32 @!p0 $0x88, s6;
	s7 =	simm.s32 @p2 $0x1082  }
0x22: {  	[simem:s7], [sflag:s8] =	dma.local @!p0 [hbm:s6], $0xF7A  }
0x23: {  	s9 =	sor.u32 $0xD0000000, s2;
	s6 =	simm.s32 $0x108;
	_ =	swait.ge @!p0 [sflag:s8], $0x0  }
0x24: {  	s3 =	sadd.s32 $0x88, s3;
	s6 =	simm.s32 @!p1 $0x1082;
	[sflag:s4] =	ssyncset.s32 $0xFFFFF086  }
0x25: {  	[simem:s6], [sflag:s4] =	dma.local [hbm:s3], $0xF7A  }
0x26: {  	[smem:$0x3F7C] =	sst s1;
	(tag) =	ssettag s2;
	_ =	strace s9  }
0x27: {  	s1 =	sld [smem:$0x3F8C]  }
0x28: {  	s2 =	sld [smem:$0x3F8D]  }
0x29: {  	s4 =	sld [smem:$0x3F8F]  }
0x2a: {  	p0 =	seq.s32 s5, $0x0;
	s5 =	sld [smem:$0x3F90]  }
0x2b: {  	s6 =	sld [smem:$0x3F91]  }
0x2c: {  	s7 =	sld [smem:$0x3F92]  }
0x2d: {  	s3 =	simm.s32 $0x108;
	s8 =	sld [smem:$0x3F93]  }
0x2e: {  	s3 =	simm.s32 @!p0 $0x1082;
	s9 =	sld [smem:$0x3F94]  }
0x2f: {  	lr =	sadd.s32 s0, s3;
	s0 =	sld [smem:$0x3F8B]  }
0x30: {  	s3 =	sld [smem:$0x3F8E]  }
0x31: {  	[smem:$0x3F97] =	sst s10  }
0x32: {  	s10 =	sld [smem:$0x3F95];
	_ =	sdelay $0x3  }
0x33: {  	p0 =	seq.s32 s10, $0x1;
	s10 =	sld [smem:$0x3F97];
	_ =	sdelay $0x3  }
0x34: {  	[smem:$0x3F97] =	sst s10  }
0x35: {  	s10 =	sld [smem:$0x3F96];
	_ =	sdelay $0x3  }
0x36: {  	p1 =	seq.s32 s10, $0x1;
	s10 =	sld [smem:$0x3F97];
	_ =	sdelay $0x3  }
0x37: {  	[smem:$0x3F97] =	sst s10  }
0x38: {  	s10 =	sld [smem:$0x3F98]  }
0x39: {  	_ = 	snop;
	(pc) =	sbr.ind lr, $3  }
0x3a: {  	_ = 	snop  }
0x3b: {  	_ = 	snop  }
0x3c: {  	p2 =	seq.s32 s10, $0x1;
	s10 =	sld [smem:$0x3F97]  }
0x3d: {  	_ =	shalt  }
0x3e: {  	_ =	shalt  }
0x3f: {  	_ =	shalt  }
0x40: {  	_ =	shalt  }
0x41: {  	_ =	shalt  }
0x42: {  	_ =	shalt  }
0x43: {  	_ =	shalt  }
0x44: {  	_ =	shalt  }
0x45: {  	_ =	shalt  }
0x46: {  	_ =	shalt  }
0x47: {  	_ =	shalt  }
0x48: {  	_ =	shalt  }
0x49: {  	_ =	shalt  }
0x4a: {  	_ =	shalt  }
0x4b: {  	_ =	shalt  }
0x4c: {  	_ =	shalt  }
0x4d: {  	_ =	shalt  }
0x4e: {  	_ =	shalt  }
0x4f: {  	_ =	shalt  }
0x50: {  	_ =	shalt  }
0x51: {  	_ =	shalt  }
0x52: {  	_ =	shalt  }
0x53: {  	_ =	shalt  }
0x54: {  	_ =	shalt  }
0x55: {  	_ =	shalt  }
0x56: {  	_ =	shalt  }
0x57: {  	_ =	shalt  }
0x58: {  	_ =	shalt  }
0x59: {  	_ =	shalt  }
0x5a: {  	_ =	shalt  }
0x5b: {  	_ =	shalt  }
0x5c: {  	_ =	shalt  }
0x5d: {  	_ =	shalt  }
0x5e: {  	_ =	shalt  }
0x5f: {  	_ =	shalt  }
0x60: {  	_ =	shalt  }
0x61: {  	_ =	shalt  }
0x62: {  	_ =	shalt  }
0x63: {  	_ =	shalt  }
0x64: {  	_ =	shalt  }
0x65: {  	_ =	shalt  }
0x66: {  	_ =	shalt  }
0x67: {  	_ =	shalt  }
0x68: {  	_ =	shalt  }
0x69: {  	_ =	shalt  }
0x6a: {  	_ =	shalt  }
0x6b: {  	_ =	shalt  }
0x6c: {  	_ =	shalt  }
0x6d: {  	_ =	shalt  }
0x6e: {  	_ =	shalt  }
0x6f: {  	_ =	shalt  }
0x70: {  	_ =	shalt  }
0x71: {  	_ =	shalt  }
0x72: {  	_ =	shalt  }
0x73: {  	_ =	shalt  }
0x74: {  	_ =	shalt  }
0x75: {  	_ =	shalt  }
0x76: {  	_ =	shalt  }
0x77: {  	_ =	shalt  }
0x78: {  	_ =	shalt  }
0x79: {  	_ =	shalt  }
0x7a: {  	_ =	shalt  }
0x7b: {  	_ =	shalt  }
0x7c: {  	_ =	shalt  }
0x7d: {  	_ =	shalt  }
0x7e: {  	_ =	shalt  }
0x7f: {  	_ =	shalt  }
0x80: {  	_ =	shalt  }
0x81: {  	_ =	shalt  }
0x82: {  	_ =	shalt  }
0x83: {  	_ =	shalt  }
0x84: {  	_ =	shalt  }
0x85: {  	_ =	shalt  }
0x86: {  	_ =	shalt  }
0x87: {  	_ =	shalt  }
.Lfunc_end0:
.L_simem_size_0:
called_computation.1_lowered:
.L_overlay_start_0:
0x88: {  	s2 =	sld [smem:$0x3FD9]  }
0x89: {  	s3 =	sld [smem:$0x3FFE];
	_ =	sdelay $0x1  }
0x8a: {  	s1 =	srdreg.scid  }
0x8b: {  	s0 =	sand.u32 $0x1, s1  }
0x8c: {  	s17 =	sshll.u32 s0, $0xA;
	s2 =	sadd.s32 s3, s2  }
0x8d: {  	s2 =	sadd.s32 s2, s17  }
0x8e: {  	[smem:$0x3FA3] =	sst s2  }
0x8f: {  	_ = 	snop  }
0x90: {  	(tm) =	ssettm $0x1  }
0x91: {  	s18 =	sld [smem:$0x3FFB];
	_ =	sdelay $0x3  }
0x92: {  	_ =	strace s18  }
0x93: {  	s2 =	sld [smem:$0x3FFC];
	_ =	sdelay $0x3  }
0x94: {  	_ =	strace s2  }
0x95: {  	s2 =	sld [smem:$0x3FFD];
	_ =	sdelay $0x3  }
0x96: {  	_ =	strace s2  }
0x97: {  	_ =	strace $0x8FFFFFFF  }
0x98: {  	s19 =	sld [smem:$0x3FDB];
	_ =	sdelay $0x1  }
0x99: {  	s20 =	simm.s32 $_scs_section_size  }
0x9a: {  	s4 =	simm.s32 $_size__tile_overlayer_lowered;
	s5 =	simm.s32 $_tile_overlayer_lowered  }
0x9b: {  	s6 =	simm.s32 $0x1BFF;
	s21 =	sshll.u32 s5, $0x1;
	s3 =	sadd.s32 s20, s19  }
0x9c: {  	s22 =	simm.s32 $0x0;
	s4 =	sshll.u32 s4, $0x1;
	s5 =	sadd.s32 s21, s3  }
0x9d: {  	[timem:s22], [sflag:s6] =	dma.local [hbm:s5], s4  }
0x9e: {  	_ =	swait.ge [sflag:s6], s4  }
0x9f: {  	s4 =	ssub.s32 $0x0, s4;
	[sflag:s6] =	ssyncset.done $0x0  }
0xa0: {  	[sflag:s6] =	ssyncadd.s32 s4;
	_ =	sdelay $0x1  }
0xa1: {  	s23 =	simm.s32 $0x1B8B  }
0xa2: {  	_ =	swait.ge [sflag:s23], $0x1  }
0xa3: {  	[sflag:s23] =	ssyncset.done $0x0  }
0xa4: {  	[sflag:s23] =	ssyncadd.s32 $0xFFFFFFFF  }
0xa5: {  	s4 =	sld [smem:$0x0]  }
0xa6: {  	s5 =	sand.u32 $0xFFFFFFFE, s1  }
0xa7: {  	p0 =	sne.s32 s1, s5  }
0xa8: {  	s5 =	sshll.u32 @p0 s5, $0xE  }
0xa9: {  	s5 =	sadd.s32 @p0 $0x11B8D, s5;
	s6 =	sshll.u32 @p0 s4, $0x11  }
0xaa: {  	s5 =	sor.u32 @p0 s6, s5  }
0xab: {  	[sflag:s5] =	ssyncadd.remote.s32 @p0 $0x1;
	_ =	sdelay $0x1  }
0xac: {  	s5 =	simm.s32 @p0 $0x1B8D  }
0xad: {  	_ =	swait.eq @p0 [sflag:s5], $0x1  }
0xae: {  	[sflag:s5] =	ssyncadd.s32 @p0 $0xFFFFFFFF  }
0xaf: {  	s6 =	sshll.u32 @!p0 s1, $0xE  }
0xb0: {  	s6 =	sor.u32 @!p0 $0x4000, s6;
	s5 =	simm.s32 @!p0 $0x1B8D  }
0xb1: {  	s4 =	sshll.u32 @!p0 s4, $0x11;
	s6 =	sadd.s32 @!p0 $0x11B8D, s6;
	_ =	swait.eq @!p0 [sflag:s5], $0x1  }
0xb2: {  	s4 =	sor.u32 @!p0 s4, s6;
	[sflag:s5] =	ssyncadd.s32 @!p0 $0xFFFFFFFF  }
0xb3: {  	s25 =	simm.s32 $0x1B8E;
	s24 =	sld [smem:$0x3FFE];
	[sflag:s4] =	ssyncadd.remote.s32 @!p0 $0x1  }
0xb4: {  	s26 =	simm.s32 $execute0_lowered;
	[smem:$0x3FD2] =	sst s25  }
0xb5: {  	s5 =	sshll.u32 s26, $0x1;
	_ =	strace $0x80000049;
	[dreg:$0x1] =	wrdreg $0xFFFFFFFF  }
0xb6: {  	s28 =	simm.s32 $_size_execute0_lowered;
	s3 =	sadd.s32 s3, s5;
	[dreg:$0x0] =	wrdreg $0x0  }
0xb7: {  	s5 =	sshll.u32 s28, $0x1;
	[dreg:$0x2] =	wrdreg s3  }
0xb8: {  	[dreg:$0x3] =	wrdreg s5  }
0xb9: {  	[dreg:$0x4] =	wrdreg $0xC0  }
0xba: {  	_ =	task [dreg:s22], $0x5FFFF  }
0xbb: {  	[dreg:$0x1] =	wrdreg $0xFFFFFFFF  }
0xbc: {  	[dreg:$0x0] =	wrdreg $0x60  }
0xbd: {  	[dreg:$0x2] =	wrdreg s24  }
0xbe: {  	[dreg:$0x3] =	wrdreg $0xA  }
0xbf: {  	_ =	task.clear_ibuf [dreg:s22], $0x4FFFF;
	_ =	strace $0x90000049  }
0xc0: {  	s29 =	simm.s32 $0xA;
	_ =	strace $0x8000004B  }
0xc1: {  	_ =	swait.ge [sflag:s29], $0x1  }
0xc2: {  	[sflag:s29] =	ssyncadd.s32 $0xFFFFFFFF  }
0xc3: {  	_ =	strace $0x9000004B  }
0xc4: {  	_ =	sfence  }
0xc5: {  	s30 =	sld [smem:$0x0];
	_ =	sdelay $0x2  }
0xc6: {  	s31 =	sshll.u32 s1, $0xD;
	s1 =	sshrl.u32 s1, $0x2  }
0xc7: {  	s4 =	sand.u32 $0x4000, s31;
	s1 =	sadd.s32 s1, s30  }
0xc8: {  	s0 =	sor.u32 s4, s0;
	s1 =	sshll.u32 s1, $0x11  }
0xc9: {  	s0 =	sor.u32 s1, s0  }
0xca: {  	s0 =	sadd.s32 $0x8F2B, s0  }
0xcb: {  	[sflag:s0] =	ssyncadd.remote.s32 $0x1  }
0xcc: {  	_ =	sfence.sel $0xFFFF  }
0xcd: {  	[dreg:$0x0] =	wrdreg $0xFFFFFFFF;
	(pc) =	sbr.abs _section_cstart, $3  }
0xce: {  	[dreg:$0x1] =	wrdreg $0xFFFFFFFF  }
0xcf: {  	_ =	task.clear_ibuf [dreg:s22], $0x2FFFF;
	_ =	strace $0x9FFFFFFF  }
0xd0: {  	(tm) =	ssettm $0x7FFFFFFF  }
0xd1: {  	_ =	shalt  }
tec
execute0_lowered:
.L_overlay_start_1:
0x0: {  	(tag) =	ssettag $0x1  }
0x1: {  	s5 =	rddreg [dreg:$0x0]  }
0x2: {  	s0 =	rddreg [dreg:$0x1]  }
0x3: {  	s3 =	srdreg.scid;
	s1 =	stileid.u32;
	s2 =	simm.s32 $0x0  }
0x4: {  	s12 =	simm.s32 $0x80;
	s13 =	simm.s32 $0x1;
	s14 =	simm.s32 $0x1480  }
0x5: {  	s15 =	simm.s32 $0x40;
	s16 =	simm.s32 $0x1500;
	s17 =	simm.s32 $0x0  }
0x6: {  	s6 =	sand.u32 $0x1, s3;
	s4 =	smul.u32 $0x2710, s1;
	[smem:$0x7FF] =	sst s2  }
0x7: {  	s8 =	sshll.u32 s1, $0x1;
	s3 =	sadd.s32 $0xA600, s5;
	s30 =	smul.u32 $0x27100, s1  }
0x8: {  	s7 =	smul.u32 $0x1388, s6;
	_ =	strace $0x8000004A;
	s8 =	sor.u32 s6, s8  }
0x9: {  	s11 =	ssub.s32 $0x2, s6;
	s6 =	smul.u32 $0x13880, s6;
	s9 =	sshll.u32 s8, $0x3  }
0xa: {  	s8 =	sshll.u32 s8, $0xA;
	s31 =	sshrl.u32 s11, $0x1;
	s7 =	sadd.s32 s7, s4  }
0xb: {  	s4 =	sadd.s32 $0x27B600, s5;
	s29 =	sadd.s32 s9, s5;
	s9 =	sadd.s32 s30, s5  }
0xc: {  	s8 =	sadd.s32 s8, s5;
	s11 =	ssub.s32 s11, s31;
	s7 =	sshrl.u32 s7, $0x3  }
0xd: {  	s9 =	sadd.s32 s6, s9;
	s6 =	sadd.s32 $0x4F2200, s8;
	s10 =	sadd.s32 s7, s5  }
0xe: {  	s5 =	sadd.s32 $0x3800, s29;
	s7 =	smax.u32 s11, $0x1;
	s8 =	sadd.s32 $0x4FA200, s9  }
0xf: {  	s11 =	simm.s32 $0x28;
	s9 =	sadd.s32 $0x4EC600, s10;
	s10 =	simm.s32 $0x2  }
.LBB2_1:
0x10: {  	s18 =	sadd.s32 $0x0, s9  }
0x11: {  	[tilespmem:s2], [sflag:$0x2] =	stream.linear.gather [hbm4b:s18+s2], $0x28, $0x38;
	[tilespmem:$0x3500] =	vst v63  }
0x12: {  	_ =	swait.ge [sflag:s10], $0x28  }
0x13: {  	[sflag:s10] =	ssyncset.done $0x0  }
0x14: {  	[sflag:s10] =	ssyncadd.s32 $0xFFFFFFD8  }
0x15: {  	[tilespmem:s12], [sflag:$0x1] =	stream.indirect.gather [hbm4b:s3+s11], $0x80, s2, s11, $0xb8;
	[tilespmem:$0x3500] =	vst v63  }
0x16: {  	_ =	swait.ge [sflag:s13], $0x1400  }
0x17: {  	[sflag:s13] =	ssyncset.done $0x0  }
0x18: {  	[sflag:s13] =	ssyncadd.s32 $0xFFFFEC00  }
0x19: {  	[hbm4b:s8+s2] =	stream.linear.scatter [tilespmem:s12], [sflag:$0x2], $0x1400, $0x38;
	[tilespmem:$0x3500] =	vst v63  }
0x1a: {  	s19 =	simm.s32 $0x5;
	_ =	swait.ge [sflag:s10], $0x1400  }
0x1b: {  	s20 =	simm.s32 $0xA;
	s18 =	sadd.s32 $0x280, s8;
	[sflag:s10] =	ssyncset.done $0x0  }
.LBB2_2:
0x1c: {  	s21 =	sadd.s32 s19, s9  }
0x1d: {  	[sflag:s10] =	ssyncadd.s32 $0xFFFFEC00;
	s19 =	smov.u32 s20;
	s22 =	sadd.s32 $0x5, s20  }
0x1e: {  	[tilespmem:s2], [sflag:$0x2] =	stream.linear.gather [hbm4b:s21+s2], $0x28, $0x38;
	[tilespmem:$0x3500] =	vst v63  }
0x1f: {  	p0 =	sne.s32 s20, $0x26C;
	_ =	swait.ge [sflag:s10], $0x28  }
0x20: {  	[sflag:s10] =	ssyncset.done $0x0  }
0x21: {  	[sflag:s10] =	ssyncadd.s32 $0xFFFFFFD8  }
0x22: {  	[tilespmem:s12], [sflag:$0x1] =	stream.indirect.gather [hbm4b:s3+s11], $0x80, s2, s11, $0xb8;
	[tilespmem:$0x3500] =	vst v63  }
0x23: {  	_ =	swait.ge [sflag:s13], $0x1400  }
.Ltmp0:
0x24: {  	[sflag:s13] =	ssyncset.done $0x0;
	(pc) =	sbr.rel @p0 .LBB2_2-.Ltmp0, $4  }
0x25: {  	[sflag:s13] =	ssyncadd.s32 $0xFFFFEC00  }
0x26: {  	[hbm4b:s18+s2] =	stream.linear.scatter [tilespmem:s12], [sflag:$0x2], $0x1400, $0x38;
	[tilespmem:$0x3500] =	vst v63  }
0x27: {  	_ =	swait.ge [sflag:s10], $0x1400  }
0x28: {  	s20 =	smov.u32 s22;
	s18 =	sadd.s32 $0x280, s18;
	[sflag:s10] =	ssyncset.done $0x0  }
0x29: {  	s19 =	sadd.s32 s19, s9;
	[sflag:s10] =	ssyncadd.s32 $0xFFFFEC00  }
0x2a: {  	[tilespmem:s2], [sflag:$0x2] =	stream.linear.gather [hbm4b:s19+s2], $0x28, $0x38;
	[tilespmem:$0x3500] =	vst v63  }
0x2b: {  	_ =	swait.ge [sflag:s10], $0x28  }
0x2c: {  	[sflag:s10] =	ssyncset.done $0x0  }
0x2d: {  	[sflag:s10] =	ssyncadd.s32 $0xFFFFFFD8  }
0x2e: {  	[tilespmem:s12], [sflag:$0x1] =	stream.indirect.gather [hbm4b:s3+s11], $0x80, s2, s11, $0xb8;
	[tilespmem:$0x3500] =	vst v63  }
0x2f: {  	_ =	swait.ge [sflag:s13], $0x1400  }
0x30: {  	[sflag:s13] =	ssyncset.done $0x0  }
0x31: {  	[sflag:s13] =	ssyncadd.s32 $0xFFFFEC00  }
0x32: {  	[hbm4b:s18+s2] =	stream.linear.scatter [tilespmem:s12], [sflag:$0x2], $0x1400, $0x38;
	[tilespmem:$0x3500] =	vst v63  }
0x33: {  	_ =	swait.ge [sflag:s10], $0x1400  }
0x34: {  	[sflag:s10] =	ssyncset.done $0x0  }
0x35: {  	[sflag:s10] =	ssyncadd.s32 $0xFFFFEC00  }
0x36: {  	[tilespmem:s14], [sflag:$0x2] =	stream.linear.gather [hbm4b:s5+s2], $0x40, $0x38;
	[tilespmem:$0x3500] =	vst v63  }
0x37: {  	_ =	swait.ge [sflag:s10], $0x40  }
0x38: {  	[sflag:s10] =	ssyncset.done $0x0  }
0x39: {  	[sflag:s10] =	ssyncadd.s32 $0xFFFFFFC0  }
0x3a: {  	[tilespmem:s16], [sflag:$0x1] =	stream.indirect.gather [hbm4b:s4+s15], $0x80, s14, s15, $0xb8;
	[tilespmem:$0x3500] =	vst v63  }
0x3b: {  	s17 =	sadd.s32 $0x1, s17;
	_ =	swait.ge [sflag:s13], $0x2000  }
0x3c: {  	p0 =	sne.s32 s17, s7;
	[sflag:s13] =	ssyncset.done $0x0  }
.Ltmp1:
0x3d: {  	[sflag:s13] =	ssyncadd.s32 $0xFFFFE000;
	(pc) =	sbr.rel @p0 .LBB2_1-.Ltmp1, $4  }
0x3e: {  	[hbm4b:s6+s2] =	stream.linear.scatter [tilespmem:s16], [sflag:$0x2], $0x2000, $0x38;
	[tilespmem:$0x3500] =	vst v63  }
0x3f: {  	_ =	swait.ge [sflag:s10], $0x2000  }
0x40: {  	[sflag:s10] =	ssyncset.done $0x0  }
0x41: {  	[sflag:s10] =	ssyncadd.s32 $0xFFFFE000  }
0x42: {  	_ =	sfence.sel $0x180000  }
0x43: {  	[bflag:$0x0] =	sbarrier.arrive $0xFFFF  }
0x44: {  	p0 =	sne.s32 s1, $0x0;
	_ =	strace $0x9000004A  }
0x45: {  	s0 =	sadd.s32 @!p0 $0x100000, s0;
	[bflag:$0x2] =	sbarrier.arrive $0xFFFF  }
0x46: {  	[sflag:s0] =	ssyncadd.tile.s32 @!p0 $0x1;
	_ =	shalt  }
.Lfunc_end2:
_tile_overlayer_lowered:
.L_overlay_start_2:
0x47: {  	(tag) =	ssettag $0x2  }
0x48: {  	s0 =	rddreg [dreg:$0x0];
	s2 =	stileid.u32  }
0x49: {  	s1 =	rddreg [dreg:$0x1];
	p0 =	sne.s32 s2, $0x0  }
0x4a: {  	s3 =	rddreg [dreg:$0x2];
	[bflag:$0x3] =	sbarrier.arrive $0xFFFF;
	s2 =	simm.s32 @!p0 $0x1C02  }
0x4b: {  	[timem:s3], [sflag:s2] =	dma.local @!p0 [hbm:s0], s1  }
0x4c: {  	s0 =	simm.s32 @!p0 $0x2  }
0x4d: {  	_ =	swait.ge @!p0 [sflag:s0], s1  }
0x4e: {  	s1 =	ssub.s32 @!p0 $0x0, s1;
	[sflag:s0] =	ssyncset.done @!p0 $0x0  }
0x4f: {  	[sflag:s0] =	ssyncadd.s32 @!p0 s1  }
0x50: {  	[bflag:$0x3] =	sbarrier.arrive $0xFFFF  }
0x51: {  	_ =	shalt  }

// kernel: scatter_offload_async_start
scs
__scs_entry_jumppad:
0x0: {  	(pc) =	sbr.rel $0x88, $3  }
0x1: {  	(tag) =	ssettag $0x0;
	lr =	simm.s32 $0x1  }
0x2: {  	[smem:$0x3F7C] =	sst lr;
	_ =	strace $0xD0000000  }
0x3: {  	_ = 	snop  }
0x4: {  	_ = 	snop  }
0x5: {  	_ = 	snop  }
0x6: {  	_ = 	snop  }
0x7: {  	_ = 	snop  }
__scs_overlays_trampoline_lowered:
0x8: {  	[smem:$0x3F8B] =	sst s0  }
0x9: {  	[smem:$0x3F8C] =	sst s1  }
0xa: {  	[smem:$0x3F8D] =	sst s2  }
0xb: {  	[smem:$0x3F8E] =	sst s3  }
0xc: {  	[smem:$0x3F8F] =	sst s4  }
0xd: {  	[smem:$0x3F90] =	sst s5  }
0xe: {  	[smem:$0x3F91] =	sst s6  }
0xf: {  	[smem:$0x3F92] =	sst s7  }
0x10: {  	[smem:$0x3F93] =	sst s8  }
0x11: {  	[smem:$0x3F94] =	sst s9;
	s0 =	simm.s32 @!p0 $0x0  }
0x12: {  	s1 =	sld [smem:$0x3F7A];
	s0 =	simm.s32 @p0 $0x1  }
0x13: {  	[smem:$0x3F95] =	sst s0;
	s0 =	simm.s32 @!p1 $0x0  }
0x14: {  	s2 =	sld [smem:$0x3F79];
	s0 =	simm.s32 @p1 $0x1  }
0x15: {  	[smem:$0x3F96] =	sst s0;
	s0 =	simm.s32 @!p2 $0x0  }
0x16: {  	s3 =	sld [smem:$0x3FDB];
	s0 =	simm.s32 @p2 $0x1  }
0x17: {  	s4 =	simm.s32 $0x1BF5;
	[smem:$0x3F98] =	sst s0  }
0x18: {  	s0 =	sld [smem:$0x3F7B];
	_ =	swait.ge [sflag:s4], $0x0  }
0x19: {  	s7 =	sld [smem:$0x3F7C]  }
0x1a: {  	s8 =	sadd.s32 $0xFFFFE003, lr  }
0x1b: {  	s9 =	sadd.s32 $0xFFFFFEF7, lr;
	s5 =	simm.s32 $0xFFFFFFFF;
	p2 =	slt.u32 s8, $0xFFFFF086  }
0x1c: {  	p1 =	slt.u32 s9, $0xF7A;
	s5 =	simm.s32 @!p2 $0x0  }
0x1d: {  	s5 =	simm.s32 @p1 $0x1;
	p0 =	seq.s32 s7, s2  }
0x1e: {  	s7 =	smul.u32 @!p0 $0xF7A, s2;
	p2 =	seq.s32 @!p0 s5, $0x0  }
0x1f: {  	s9 =	smul.u32 $0xF7A, s1;
	s8 =	simm.s32 @!p0 $0x1BF5;
	p2 =	por !p2, p0  }
0x20: {  	[sflag:s8] =	ssyncset.s32 @!p0 $0xFFFFF086;
	s6 =	sadd.s32 @!p0 s3, s7;
	s7 =	simm.s32 @!p0 $0x108  }
0x21: {  	s3 =	sadd.s32 s3, s9;
	s6 =	sadd.s32 @!p0 $0x88, s6;
	s7 =	simm.s32 @p2 $0x1082  }
0x22: {  	[simem:s7], [sflag:s8] =	dma.local @!p0 [hbm:s6], $0xF7A  }
0x23: {  	s9 =	sor.u32 $0xD0000000, s2;
	s6 =	simm.s32 $0x108;
	_ =	swait.ge @!p0 [sflag:s8], $0x0  }
0x24: {  	s3 =	sadd.s32 $0x88, s3;
	s6 =	simm.s32 @!p1 $0x1082;
	[sflag:s4] =	ssyncset.s32 $0xFFFFF086  }
0x25: {  	[simem:s6], [sflag:s4] =	dma.local [hbm:s3], $0xF7A  }
0x26: {  	[smem:$0x3F7C] =	sst s1;
	(tag) =	ssettag s2;
	_ =	strace s9  }
0x27: {  	s1 =	sld [smem:$0x3F8C]  }
0x28: {  	s2 =	sld [smem:$0x3F8D]  }
0x29: {  	s4 =	sld [smem:$0x3F8F]  }
0x2a: {  	p0 =	seq.s32 s5, $0x0;
	s5 =	sld [smem:$0x3F90]  }
0x2b: {  	s6 =	sld [smem:$0x3F91]  }
0x2c: {  	s7 =	sld [smem:$0x3F92]  }
0x2d: {  	s3 =	simm.s32 $0x108;
	s8 =	sld [smem:$0x3F93]  }
0x2e: {  	s3 =	simm.s32 @!p0 $0x1082;
	s9 =	sld [smem:$0x3F94]  }
0x2f: {  	lr =	sadd.s32 s0, s3;
	s0 =	sld [smem:$0x3F8B]  }
0x30: {  	s3 =	sld [smem:$0x3F8E]  }
0x31: {  	[smem:$0x3F97] =	sst s10  }
0x32: {  	s10 =	sld [smem:$0x3F95];
	_ =	sdelay $0x3  }
0x33: {  	p0 =	seq.s32 s10, $0x1;
	s10 =	sld [smem:$0x3F97];
	_ =	sdelay $0x3  }
0x34: {  	[smem:$0x3F97] =	sst s10  }
0x35: {  	s10 =	sld [smem:$0x3F96];
	_ =	sdelay $0x3  }
0x36: {  	p1 =	seq.s32 s10, $0x1;
	s10 =	sld [smem:$0x3F97];
	_ =	sdelay $0x3  }
0x37: {  	[smem:$0x3F97] =	sst s10  }
0x38: {  	s10 =	sld [smem:$0x3F98]  }
0x39: {  	_ = 	snop;
	(pc) =	sbr.ind lr, $3  }
0x3a: {  	_ = 	snop  }
0x3b: {  	_ = 	snop  }
0x3c: {  	p2 =	seq.s32 s10, $0x1;
	s10 =	sld [smem:$0x3F97]  }
0x3d: {  	_ =	shalt  }
0x3e: {  	_ =	shalt  }
0x3f: {  	_ =	shalt  }
0x40: {  	_ =	shalt  }
0x41: {  	_ =	shalt  }
0x42: {  	_ =	shalt  }
0x43: {  	_ =	shalt  }
0x44: {  	_ =	shalt  }
0x45: {  	_ =	shalt  }
0x46: {  	_ =	shalt  }
0x47: {  	_ =	shalt  }
0x48: {  	_ =	shalt  }
0x49: {  	_ =	shalt  }
0x4a: {  	_ =	shalt  }
0x4b: {  	_ =	shalt  }
0x4c: {  	_ =	shalt  }
0x4d: {  	_ =	shalt  }
0x4e: {  	_ =	shalt  }
0x4f: {  	_ =	shalt  }
0x50: {  	_ =	shalt  }
0x51: {  	_ =	shalt  }
0x52: {  	_ =	shalt  }
0x53: {  	_ =	shalt  }
0x54: {  	_ =	shalt  }
0x55: {  	_ =	shalt  }
0x56: {  	_ =	shalt  }
0x57: {  	_ =	shalt  }
0x58: {  	_ =	shalt  }
0x59: {  	_ =	shalt  }
0x5a: {  	_ =	shalt  }
0x5b: {  	_ =	shalt  }
0x5c: {  	_ =	shalt  }
0x5d: {  	_ =	shalt  }
0x5e: {  	_ =	shalt  }
0x5f: {  	_ =	shalt  }
0x60: {  	_ =	shalt  }
0x61: {  	_ =	shalt  }
0x62: {  	_ =	shalt  }
0x63: {  	_ =	shalt  }
0x64: {  	_ =	shalt  }
0x65: {  	_ =	shalt  }
0x66: {  	_ =	shalt  }
0x67: {  	_ =	shalt  }
0x68: {  	_ =	shalt  }
0x69: {  	_ =	shalt  }
0x6a: {  	_ =	shalt  }
0x6b: {  	_ =	shalt  }
0x6c: {  	_ =	shalt  }
0x6d: {  	_ =	shalt  }
0x6e: {  	_ =	shalt  }
0x6f: {  	_ =	shalt  }
0x70: {  	_ =	shalt  }
0x71: {  	_ =	shalt  }
0x72: {  	_ =	shalt  }
0x73: {  	_ =	shalt  }
0x74: {  	_ =	shalt  }
0x75: {  	_ =	shalt  }
0x76: {  	_ =	shalt  }
0x77: {  	_ =	shalt  }
0x78: {  	_ =	shalt  }
0x79: {  	_ =	shalt  }
0x7a: {  	_ =	shalt  }
0x7b: {  	_ =	shalt  }
0x7c: {  	_ =	shalt  }
0x7d: {  	_ =	shalt  }
0x7e: {  	_ =	shalt  }
0x7f: {  	_ =	shalt  }
0x80: {  	_ =	shalt  }
0x81: {  	_ =	shalt  }
0x82: {  	_ =	shalt  }
0x83: {  	_ =	shalt  }
0x84: {  	_ =	shalt  }
0x85: {  	_ =	shalt  }
0x86: {  	_ =	shalt  }
0x87: {  	_ =	shalt  }
.Lfunc_end0:
.L_simem_size_0:
called_computation_lowered:
.L_overlay_start_0:
0x88: {  	s0 =	sld [smem:$0x3FD9]  }
0x89: {  	s1 =	sld [smem:$0x3FFE];
	_ =	sdelay $0x3  }
0x8a: {  	s0 =	sadd.s32 s1, s0  }
0x8b: {  	[smem:$0x3FA3] =	sst s0  }
0x8c: {  	_ = 	snop  }
0x8d: {  	(tm) =	ssettm $0x1  }
0x8e: {  	s15 =	sld [smem:$0x3FFB];
	_ =	sdelay $0x3  }
0x8f: {  	_ =	strace s15  }
0x90: {  	s0 =	sld [smem:$0x3FFC];
	_ =	sdelay $0x3  }
0x91: {  	_ =	strace s0  }
0x92: {  	s0 =	sld [smem:$0x3FFD];
	_ =	sdelay $0x3  }
0x93: {  	_ =	strace s0  }
0x94: {  	_ =	strace $0x8FFFFFFF  }
0x95: {  	s16 =	sld [smem:$0x3FDB];
	_ =	sdelay $0x1  }
0x96: {  	s17 =	simm.s32 $_scs_section_size  }
0x97: {  	s2 =	simm.s32 $_size__tile_overlayer_lowered;
	s3 =	simm.s32 $_tile_overlayer_lowered  }
0x98: {  	s20 =	simm.s32 $0x1BFF;
	s19 =	sshll.u32 s3, $0x1;
	s0 =	sadd.s32 s17, s16  }
0x99: {  	s4 =	simm.s32 $0x0;
	s18 =	sshll.u32 s2, $0x1;
	s2 =	sadd.s32 s19, s0  }
0x9a: {  	[timem:s4], [sflag:s20] =	dma.local [hbm:s2], s18  }
0x9b: {  	_ =	swait.ge [sflag:s20], s18  }
0x9c: {  	s1 =	ssub.s32 $0x0, s18;
	[sflag:s20] =	ssyncset.done $0x0  }
0x9d: {  	[sflag:s20] =	ssyncadd.s32 s1;
	_ =	sdelay $0x1  }
0x9e: {  	s21 =	simm.s32 $0x1B8B  }
0x9f: {  	_ =	swait.ge [sflag:s21], $0x1  }
0xa0: {  	[sflag:s21] =	ssyncset.done $0x0  }
0xa1: {  	s23 =	simm.s32 $0x1B8E;
	s22 =	sld [smem:$0x3FFE];
	[sflag:s21] =	ssyncadd.s32 $0xFFFFFFFF  }
0xa2: {  	s24 =	simm.s32 $execute0_lowered;
	[smem:$0x3FD2] =	sst s23  }
0xa3: {  	s2 =	sshll.u32 s24, $0x1;
	_ =	strace $0x80000046;
	[dreg:$0x1] =	wrdreg $0xFFFFFFFF  }
0xa4: {  	s25 =	simm.s32 $_size_execute0_lowered;
	s0 =	sadd.s32 s0, s2;
	[dreg:$0x0] =	wrdreg $0x0  }
0xa5: {  	s2 =	sshll.u32 s25, $0x1;
	[dreg:$0x2] =	wrdreg s0  }
0xa6: {  	[dreg:$0x3] =	wrdreg s2  }
0xa7: {  	[dreg:$0x4] =	wrdreg $0xC0  }
0xa8: {  	_ =	task [dreg:s4], $0x5FFFF  }
0xa9: {  	[dreg:$0x1] =	wrdreg $0xFFFFFFFF  }
0xaa: {  	[dreg:$0x0] =	wrdreg $0x60  }
0xab: {  	[dreg:$0x2] =	wrdreg s22  }
0xac: {  	[dreg:$0x3] =	wrdreg $0x9  }
0xad: {  	_ =	task.clear_ibuf [dreg:s4], $0x4FFFF;
	_ =	strace $0x90000046  }
0xae: {  	s26 =	simm.s32 $0x9;
	_ =	strace $0x80000048  }
0xaf: {  	_ =	swait.ge [sflag:s26], $0x1  }
0xb0: {  	[sflag:s26] =	ssyncadd.s32 $0xFFFFFFFF  }
0xb1: {  	_ =	strace $0x90000048  }
0xb2: {  	_ =	sfence  }
0xb3: {  	s28 =	sld [smem:$0x0];
	_ =	sdelay $0x1  }
0xb4: {  	s29 =	srdreg.scid  }
0xb5: {  	s30 =	sshll.u32 s29, $0xD;
	s31 =	sshrl.u32 s29, $0x2  }
0xb6: {  	s1 =	sand.u32 $0x1, s29;
	s2 =	sand.u32 $0x4000, s30;
	s0 =	sadd.s32 s31, s28  }
0xb7: {  	s1 =	sor.u32 s2, s1;
	s0 =	sshll.u32 s0, $0x11  }
0xb8: {  	s0 =	sor.u32 s0, s1  }
0xb9: {  	s0 =	sadd.s32 $0x8F2B, s0  }
0xba: {  	[sflag:s0] =	ssyncadd.remote.s32 $0x1  }
0xbb: {  	_ =	sfence.sel $0xFFFF  }
0xbc: {  	[dreg:$0x0] =	wrdreg $0xFFFFFFFF;
	(pc) =	sbr.abs _section_cstart, $3  }
0xbd: {  	[dreg:$0x1] =	wrdreg $0xFFFFFFFF  }
0xbe: {  	_ =	task.clear_ibuf [dreg:s4], $0x2FFFF;
	_ =	strace $0x9FFFFFFF  }
0xbf: {  	(tm) =	ssettm $0x7FFFFFFF  }
tec
execute0_lowered:
.L_overlay_start_1:
0x0: {  	(tag) =	ssettag $0x1  }
0x1: {  	s7 =	rddreg [dreg:$0x0]  }
0x2: {  	s0 =	rddreg [dreg:$0x1]  }
0x3: {  	_ =	strace $0x80000047;
	s3 =	stileid.u32;
	s4 =	simm.s32 $0x3E  }
0x4: {  	s1 =	sadd.s32 $0x3A00, s7;
	p0 =	sne.s32 s3, $0x0;
	[sflag:s4] =	ssyncpa.u1 $0x0  }
0x5: {  	s30 =	smin.u32 s3, $0x9;
	s2 =	simm.s32 @!p0 $0x1C3E;
	s5 =	simm.s32 @!p0 $0x0  }
0x6: {  	[spmem:s5], [sflag:s2] =	dma.local @!p0 [hbm:s1], $0x280  }
0x7: {  	s2 =	sadd.s32 s3, s30  }
0x8: {  	p1 =	slt.u32 s3, $0x9;
	s3 =	simm.s32 $0x320;
	s2 =	smul.u32 $0x190, s2  }
0x9: {  	s3 =	simm.s32 @!p1 $0x190  }
0xa: {  	s3 =	sadd.s32 s3, s2  }
0xb: {  	s3 =	smin.u32 s3, $0x2710  }
0xc: {  	s8 =	ssub.s32 s3, s2  }
0xd: {  	p1 =	sgt.s32 s8, $0x0  }
0xe: {  	s8 =	simm.s32 @!p1 $0x0  }
0xf: {  	s6 =	sand.u32 $0xFFF0, s8  }
0x10: {  	s5 =	simm.s32 @!p0 $0x3E;
	s6 =	sshrl.u32 s6, $0x4  }
0x11: {  	_ =	swait.ge @!p0 [sflag:s5], $0x280;
	s31 =	smul.u32 $0xA3E, s6  }
0x12: {  	[sflag:s5] =	ssyncset.done @!p0 $0x0  }
0x13: {  	[sflag:s5] =	ssyncadd.s32 @!p0 $0xFFFFFD80;
	s9 =	sshrl.u32 s31, $0x10  }
0x14: {  	s11 =	simm.s32 $0x0;
	[bflag:$0x0] =	sbarrier.arrive $0xFFFF;
	s10 =	smul.u32 $0x190, s9  }
.Ltmp0:
0x15: {  	[sflag:s4] =	ssyncpa.u1 $0x1;
	s4 =	simm.s32 $0x1;
	(pc) =	sbr.rel .LBB2_1-.Ltmp0, $4  }
0x16: {  	s5 =	sadd.s32 $0x4F1600, s7;
	s7 =	sadd.s32 $0x4F1C00, s7;
	[sflag:s4] =	ssyncpa.u1 $0x0  }
0x17: {  	s6 =	simm.s32 $0x2;
	p1 =	sne.s32 s8, s10;
	s8 =	simm.s32 $0x1  }
0x18: {  	(ifvalue) =	ssetifvalue $0x1400;
	[sflag:s6] =	ssyncpa.u1 $0x0;
	s8 =	simm.s32 @!p1 $0x0  }
0x19: {  	vm0 =	vmmov $0xffff;
	s10 =	smov.u32 s2;
	s8 =	sadd.s32 s9, s8;
	s9 =	simm.s32 $0x0  }
.LBB2_5:
0x1a: {  	p2 =	sne.s32 s11, s8  }
.Ltmp1:
0x1b: {  	_ = 	snop;
	(pc) =	sbr.rel @!p2 .LBB2_6-.Ltmp1, $4  }
0x1c: {  	_ = 	snop  }
0x1d: {  	s12 =	sadd.s32 $0x190, s10  }
0x1e: {  	s10 =	smov.u32 s2;
	s13 =	sadd.s32 $0x1, s11;
	p1 =	slt.s32 s12, s3  }
0x1f: {  	s11 =	smov.u32 s13;
	s10 =	smov.u32 @p1 s12  }
.LBB2_1:
0x20: {  	p1 =	sge.u32 s11, s8  }
0x21: {  	s12 =	sxor.u32 @!p1 $0xFFFFFFFF, s11  }
0x22: {  	s12 =	sand.u32 @!p1 $0x1, s12  }
0x23: {  	s12 =	smul.u32 @!p1 $0x190, s12  }
0x24: {  	s13 =	sshrl.u32 @!p1 s10, $0x3  }
0x25: {  	s16 =	sand.u32 @!p1 $0x7, s10;
	s14 =	sadd.s32 @!p1 s5, s13;
	s15 =	sadd.s32 @!p1 $0x140, s12  }
0x26: {  	[tilespmem:s15], [sflag:$0x2] =	stream.linear.gather @!p1 [hbm4b:s14+s16], $0x190, $0x38;
	[tilespmem:$0x780] =	vst v63  }
0x27: {  	s13 =	sadd.s32 @!p1 s7, s13;
	s12 =	sadd.s32 @!p1 $0x460, s12  }
0x28: {  	[tilespmem:s12], [sflag:$0x2] =	stream.linear.gather @!p1 [hbm4b:s13+s16], $0x190, $0x38;
	[tilespmem:$0x780] =	vst v63  }
0x29: {  	p1 =	seq.s32 s11, $0x0  }
.Ltmp2:
0x2a: {  	_ = 	snop;
	(pc) =	sbr.rel @p1 .LBB2_5-.Ltmp2, $1  }
0x2b: {  	_ =	sdelay $0x3  }
0x2c: {  	s12 =	sand.u32 $0x1, s11  }
0x2d: {  	_ =	swait.ge [sflag:s6], $0x320;
	p1 =	seq.s32 s12, $0x1;
	s12 =	simm.s32 $0x190  }
0x2e: {  	[sflag:s6] =	ssyncset.done $0x0;
	s12 =	simm.s32 @!p1 $0x0  }
0x2f: {  	[sflag:s6] =	ssyncadd.s32 $0xFFFFFCE0;
	s14 =	sadd.s32 $0x140, s12  }
0x30: {  	v0 =	vld.msk [tilespmem:s14+$0x0 ss:$0x1], $0xffff;
	_ =	sdelay $0x4  }
0x31: {  	v0 =	vmin.u32 v0, $0x1400;
	_ =	sdelay $0x3  }
0x32: {  	s13 =	simm.s32 $0x0;
	s12 =	sor.u32 $0x460, s12;
	s14 =	sadd.s32 $0x10, s14  }
0x33: {  	[spmem:s9] =	stream.indirect_vreg.scatter.add.s32 [tilespmem:s12], [sflag:$0x1], $0x1, v0, vm0, $0x4038;
	[tilespmem:$0x780] =	vst v63  }
.LBB2_3:
0x34: {  	v0 =	vld.msk [tilespmem:s14+$0x0 ss:$0x1], $0xffff;
	s13 =	sadd.s32 $0x10, s13  }
0x35: {  	p1 =	slt.u32 s13, $0x180;
	_ =	sdelay $0x4  }
0x36: {  	v0 =	vmin.u32 v0, $0x1400  }
.Ltmp3:
0x37: {  	(pc) =	sbr.rel @p1 .LBB2_3-.Ltmp3, $3  }
0x38: {  	_ =	sdelay $0x1  }
0x39: {  	s14 =	sadd.s32 $0x10, s14;
	s12 =	sadd.s32 $0x10, s12  }
0x3a: {  	[spmem:s9] =	stream.indirect_vreg.scatter.add.s32 [tilespmem:s12], [sflag:$0x1], $0x1, v0, vm0, $0x4038;
	[tilespmem:$0x780] =	vst v63  }
.Ltmp4:
0x3b: {  	(pc) =	sbr.rel .LBB2_5-.Ltmp4, $4  }
0x3c: {  	_ = 	snop  }
0x3d: {  	_ =	swait.ge [sflag:s4], $0x190  }
0x3e: {  	[sflag:s4] =	ssyncset.done $0x0  }
0x3f: {  	[sflag:s4] =	ssyncadd.s32 $0xFFFFFE70  }
.LBB2_6:
0x40: {  	_ =	sfence.sel $0x180000  }
0x41: {  	s2 =	simm.s32 $0x2;
	[bflag:$0x0] =	sbarrier.arrive $0xFFFF  }
0x42: {  	s30 =	simm.s32 $0x1;
	[sflag:s2] =	ssyncpa.u1 $0x1  }
0x43: {  	[sflag:s30] =	ssyncpa.u1 $0x1  }
0x44: {  	_ =	sfence.stream.spmem  }
0x45: {  	s31 =	simm.s32 $0x3D;
	[bflag:$0x0] =	sbarrier.arrive $0xFFFF  }
0x46: {  	s2 =	simm.s32 @p0 $0x3D;
	[sflag:s31] =	ssyncpa.u1 $0x0  }
0x47: {  	[sflag:s2] =	ssyncpa.u1 @p0 $0x1  }
0x48: {  	[bflag:$0x0] =	sbarrier.arrive @p0 $0xFFFF  }
0x49: {  	_ =	strace @p0 $0x90000047  }
0x4a: {  	s3 =	simm.s32 @!p0 $0x1C3D;
	s2 =	simm.s32 @!p0 $0x0;
	[bflag:$0x2] =	sbarrier.arrive @p0 $0xFFFF  }
0x4b: {  	[hbm:s1], [sflag:s3] =	dma.local @!p0 [spmem:s2], $0x280  }
0x4c: {  	s1 =	simm.s32 @!p0 $0x3D  }
0x4d: {  	_ =	swait.ge @!p0 [sflag:s1], $0x280  }
0x4e: {  	[sflag:s1] =	ssyncset.done @!p0 $0x0  }
0x4f: {  	[sflag:s1] =	ssyncadd.s32 @!p0 $0xFFFFFD80  }
0x50: {  	[sflag:s1] =	ssyncpa.u1 @!p0 $0x1  }
0x51: {  	[bflag:$0x0] =	sbarrier.arrive @!p0 $0xFFFF  }
0x52: {  	_ =	strace @!p0 $0x90000047  }
0x53: {  	s0 =	sadd.s32 @!p0 $0x100000, s0;
	[bflag:$0x2] =	sbarrier.arrive @!p0 $0xFFFF  }
0x54: {  	[sflag:s0] =	ssyncadd.tile.s32 @!p0 $0x1;
	_ =	shalt  }
.Lfunc_end2:
_tile_overlayer_lowered:
.L_overlay_start_2:
0x55: {  	(tag) =	ssettag $0x2  }
0x56: {  	s0 =	rddreg [dreg:$0x0];
	s2 =	stileid.u32  }
0x57: {  	s1 =	rddreg [dreg:$0x1];
	p0 =	sne.s32 s2, $0x0  }
0x58: {  	s3 =	rddreg [dreg:$0x2];
	[bflag:$0x3] =	sbarrier.arrive $0xFFFF;
	s2 =	simm.s32 @!p0 $0x1C01  }
0x59: {  	[timem:s3], [sflag:s2] =	dma.local @!p0 [hbm:s0], s1  }
0x5a: {  	s0 =	simm.s32 @!p0 $0x1  }
0x5b: {  	_ =	swait.ge @!p0 [sflag:s0], s1  }
0x5c: {  	s1 =	ssub.s32 @!p0 $0x0, s1;
	[sflag:s0] =	ssyncset.done @!p0 $0x0  }
0x5d: {  	[sflag:s0] =	ssyncadd.s32 @!p0 s1  }
0x5e: {  	[bflag:$0x3] =	sbarrier.arrive $0xFFFF  }
0x5f: {  	_ =	shalt  }

</sc_bundles>
